<compile_context>
chip_gen: v7x
topology: tpu7x:2x2x1
jax: 0.10.2.dev20260603
libtpu: 0.0.44.dev20260713+nightly
codegen_flags: <defaults>
</compile_context>

<pallas_src>
import functools

import jax
import jax.numpy as jnp
from jax import lax
from jax.experimental import pallas as pl
from jax.experimental.pallas import tpu as pltpu
from jax.experimental.pallas import tpu_sc as plsc

N = 10000
E = 320000
C_IN = 16
C_MID = 64
C_OUT = 64
TBL_W = 32
Y_W = 80
CHUNK = 128
NCHUNK = E // CHUNK
EBLK = 640
NEBLK = E // EBLK
NW = 32
CHUNK_ITERS = (NCHUNK + NW - 1) // NW
ROWS_PER_TILE = N // 16

_mesh = plsc.VectorSubcoreMesh(core_axis_name="c", subcore_axis_name="s")


@functools.partial(
    pl.kernel,
    out_type=(
        jax.ShapeDtypeStruct((E, TBL_W), jnp.float32),
        jax.ShapeDtypeStruct((E, TBL_W), jnp.float32),
    ),
    mesh=_mesh,
    compiler_params=pltpu.CompilerParams(use_tc_tiling_on_sc=False),
    scratch_types=[
        pltpu.VMEM((CHUNK,), jnp.int32),
        pltpu.VMEM((CHUNK, TBL_W), jnp.float32),
        pltpu.SemaphoreType.DMA,
    ],
)
def _sc_gather(table_hbm, ii_hbm, oi_hbm, gii_hbm, goi_hbm, idx_v, rows_v, sem):
    wid = lax.axis_index("s") * 2 + lax.axis_index("c")

    def body(j, carry):
        cid = wid + j * NW

        @pl.when(cid < NCHUNK)
        def _():
            base = cid * CHUNK
            pltpu.sync_copy(ii_hbm.at[pl.ds(base, CHUNK)], idx_v)
            pltpu.async_copy(table_hbm.at[idx_v], rows_v, sem).wait()
            pltpu.sync_copy(rows_v, gii_hbm.at[pl.ds(base, CHUNK)])
            pltpu.sync_copy(oi_hbm.at[pl.ds(base, CHUNK)], idx_v)
            pltpu.async_copy(table_hbm.at[idx_v], rows_v, sem).wait()
            pltpu.sync_copy(rows_v, goi_hbm.at[pl.ds(base, CHUNK)])

        return carry

    lax.fori_loop(0, CHUNK_ITERS, body, 0)


@functools.partial(
    pl.kernel,
    out_type=jax.ShapeDtypeStruct((2, N, Y_W), jnp.float32),
    mesh=_mesh,
    compiler_params=pltpu.CompilerParams(use_tc_tiling_on_sc=False),
    scratch_types=[
        pltpu.VMEM_SHARED((N, Y_W), jnp.float32),
        pltpu.VMEM((CHUNK,), jnp.int32),
        pltpu.VMEM((CHUNK, Y_W), jnp.float32),
    ],
)
def _sc_scatter(y_hbm, oi_hbm, zeros_hbm, out_hbm, acc_sh, idx_v, rows_v):
    c = lax.axis_index("c")
    s = lax.axis_index("s")
    wid = s * 2 + c
    row0 = s * ROWS_PER_TILE

    pltpu.sync_copy(
        zeros_hbm.at[pl.ds(row0, ROWS_PER_TILE)],
        acc_sh.at[pl.ds(row0, ROWS_PER_TILE)],
    )
    plsc.subcore_barrier()

    def body(j, carry):
        cid = wid + j * NW

        @pl.when(cid < NCHUNK)
        def _():
            base = cid * CHUNK
            pltpu.sync_copy(oi_hbm.at[pl.ds(base, CHUNK)], idx_v)
            pltpu.sync_copy(y_hbm.at[pl.ds(base, CHUNK)], rows_v)
            pltpu.sync_copy(rows_v, acc_sh.at[idx_v], add=True)

        return carry

    lax.fori_loop(0, CHUNK_ITERS, body, 0)
    plsc.subcore_barrier()
    pltpu.sync_copy(
        acc_sh.at[pl.ds(row0, ROWS_PER_TILE)],
        out_hbm.at[c, pl.ds(row0, ROWS_PER_TILE)],
    )


def _edge_body(gii_ref, goi_ref, w1t_ref, w2t_ref, w3t_ref, y_ref):
    gi = gii_ref[...]
    go = goi_ref[...]
    posl = gi[:, :16] - go[:, :16]
    h1 = jnp.dot(posl, w1t_ref[...], preferred_element_type=jnp.float32)
    h1 = jnp.where(h1 > 0, h1, jnp.exp(jnp.minimum(h1, 0.0)) - 1.0)
    m = jnp.dot(h1, w2t_ref[...], preferred_element_type=jnp.float32)
    m = jnp.where(m > 0, m, jnp.exp(jnp.minimum(m, 0.0)) - 1.0)
    g = jnp.dot(m, w3t_ref[...], preferred_element_type=jnp.float32)
    x = gi[:, 16:32]
    y = x[:, 0:1] * g[:, 0:C_MID]
    for cc in range(1, C_IN):
        y = y + x[:, cc:cc + 1] * g[:, cc * C_MID:(cc + 1) * C_MID]
    y_ref[:, 0:C_OUT] = y
    col = lax.broadcasted_iota(jnp.int32, (EBLK, Y_W - C_OUT), 1)
    y_ref[:, C_OUT:Y_W] = jnp.where(col == 0, 1.0, 0.0)


def _edge_call(gii, goi, w1t, w2t, w3t):
    return pl.pallas_call(
        _edge_body,
        grid=(NEBLK,),
        in_specs=[
            pl.BlockSpec((EBLK, TBL_W), lambda i: (i, 0)),
            pl.BlockSpec((EBLK, TBL_W), lambda i: (i, 0)),
            pl.BlockSpec((16, 16), lambda i: (0, 0)),
            pl.BlockSpec((16, C_MID), lambda i: (0, 0)),
            pl.BlockSpec((C_MID, C_IN * C_MID), lambda i: (0, 0)),
        ],
        out_specs=pl.BlockSpec((EBLK, Y_W), lambda i: (i, 0)),
        out_shape=jax.ShapeDtypeStruct((E, Y_W), jnp.float32),
    )(gii, goi, w1t, w2t, w3t)


def _finish_body(p_ref, b3_ref, out_ref):
    s = p_ref[0] + p_ref[1]
    cnt = s[:, C_OUT:C_OUT + 1]
    deg = jnp.maximum(cnt, 1.0)
    y = s[:, 0:C_OUT] / deg + b3_ref[...]
    y = jnp.where(jnp.isnan(y), 0.0, y)
    y = jnp.where(y == jnp.inf, 10000.0, y)
    y = jnp.where(y == -jnp.inf, -10000.0, y)
    out_ref[...] = jnp.where(cnt > 0.5, y, 0.0)


def _finish_call(partial, b3row):
    return pl.pallas_call(
        _finish_body,
        grid=(1,),
        in_specs=[
            pl.BlockSpec((2, N, Y_W), lambda i: (0, 0, 0)),
            pl.BlockSpec((1, C_OUT), lambda i: (0, 0)),
        ],
        out_specs=pl.BlockSpec((N, C_OUT), lambda i: (0, 0)),
        out_shape=jax.ShapeDtypeStruct((N, C_OUT), jnp.float32),
    )(partial, b3row)


@jax.jit
def kernel(x_in, pos_in, batch_in, in_index, out_index, W1, W2, W3, b3):
    table = jnp.concatenate(
        [jnp.pad(pos_in, ((0, 0), (0, 13))), x_in], axis=1)
    gii, goi = _sc_gather(table, in_index, out_index)
    w1t = jnp.pad(W1.T, ((0, 13), (0, 0)))
    w2t = W2.T
    w3t = jnp.transpose(
        W3.reshape(C_OUT, C_IN, C_MID), (2, 1, 0)).reshape(C_MID, C_IN * C_MID)
    y = _edge_call(gii, goi, w1t, w2t, w3t)
    partial = _sc_scatter(y, out_index, jnp.zeros((N, Y_W), jnp.float32))
    return _finish_call(partial, b3.reshape(1, C_OUT))

# --- scband reference (transcript-rebuilt; emitter-appended) ---
"""Pipeline reference for scband-point-conv-87540023427829 (READ-ONLY COPY).

The authoritative reference and input builder live on the scoring server;
editing this copy changes nothing except your own understanding.
"""

import jax, jax.numpy as jnp
import numpy as np

N = 10000
E = 320000
C_IN = 16
C_MID = 64
C_OUT = 64
POS_DIM = 3


def setup_inputs(seed: int = 0) -> dict:
    key = jax.random.key(seed)
    ks = jax.random.split(key, 9)
    x_in = jax.random.normal(ks[0], (N, C_IN), dtype=jnp.float32)
    pos_in = jax.random.uniform(ks[1], (N, POS_DIM), dtype=jnp.float32)
    batch_in = jnp.zeros((N,), dtype=jnp.int32)
    in_index = jax.random.randint(ks[2], (E,), 0, N, dtype=jnp.int32)
    out_index = jnp.sort(jax.random.randint(ks[3], (E,), 0, N, dtype=jnp.int32))
    # parameters (torch.nn.Linear conventions: weight [out, in])
    W1 = jax.random.normal(ks[4], (16, POS_DIM), dtype=jnp.float32) * (1.0 / np.sqrt(POS_DIM))
    W2 = jax.random.normal(ks[5], (C_MID, 16), dtype=jnp.float32) * (1.0 / np.sqrt(16))
    W3 = jax.random.normal(ks[6], (C_OUT, C_MID * C_IN), dtype=jnp.float32) * (1.0 / np.sqrt(C_MID * C_IN))
    b3 = jax.random.normal(ks[7], (C_OUT,), dtype=jnp.float32) * 0.01
    return {"x_in": x_in, "pos_in": pos_in, "batch_in": batch_in,
            "in_index": in_index, "out_index": out_index,
            "W1": W1, "W2": W2, "W3": W3, "b3": b3}


def reference(x_in, pos_in, batch_in, in_index, out_index, W1, W2, W3, b3):
    # pos_out = pos_in (self-convolution); neighbor indices supplied, so radius() is skipped
    perm = jnp.argsort(out_index)  # stable sort, matches torch.sort
    oi = out_index[perm]
    ii = in_index[perm]
    n_nodes = pos_in.shape[0]
    counts = jnp.bincount(oi, length=n_nodes)
    deg = jnp.maximum(counts.astype(jnp.float32), 1.0)  # clamp_min(1.0)
    # relative positions (gather)
    pos_local = jnp.nan_to_num(pos_in[ii] - pos_in[oi])
    # degree-normalized neighbor features (gather)
    w = (1.0 / deg[oi])[:, None]
    xn = x_in[ii] * w
    M = jax.nn.celu(pos_local @ W1.T)
    M = jax.nn.celu(M @ W2.T)
    # bmm(x_dense^T, M) per group == segmented sum over edges of xn_e (x) M_e
    product = jax.ops.segment_sum(xn[:, :, None] * M[:, None, :], oi,
                                  num_segments=n_nodes, indices_are_sorted=True)
    product = product.reshape(n_nodes, -1)
    out = product @ W3.T + b3
    out = jnp.nan_to_num(out, nan=0.0, posinf=10000.0, neginf=-10000.0)
    present = counts > 0
    full = jnp.where(present[:, None], out, jnp.zeros_like(out))
    return full

if __name__ == "__main__":
    import jax
    _d = setup_inputs()
    print(jax.jit(kernel)(*tuple(_d.values())))

</pallas_src>

<mosaic_0001>
#map = affine_map<(d0, d1) -> (0, 0)>
#map1 = affine_map<(d0, d1) -> (0)>
#map2 = affine_map<(d0, d1) -> (0, 0, 0)>
module attributes {stable_mosaic.version = 14 : i64} {
  func.func @_sc_scatter(%arg0: i32, %arg1: i32, %arg2: memref<320000x80xf32, #tpu.memory_space<hbm>>, %arg3: memref<320000xi32, #tpu.memory_space<hbm>>, %arg4: memref<10000x80xf32, #tpu.memory_space<hbm>>, %arg5: memref<2x10000x80xf32, #tpu.memory_space<hbm>>, %arg6: memref<10000x80xf32, #tpu.memory_space<vmem_shared>>, %arg7: memref<128xi32, #tpu.memory_space<vmem>>, %arg8: memref<128x80xf32, #tpu.memory_space<vmem>>) attributes {dimension_semantics = [#tpu.dimension_semantics<core_parallel>, #tpu.dimension_semantics<subcore_parallel>], iteration_bounds = array<i64: 2, 16>, scalar_prefetch = 0 : i64, scratch_operands = 3 : i64, tpu.core_type = #tpu.core_type<sc_vector_subcore>, window_params = [{transform_indices = #map}, {transform_indices = #map1}, {transform_indices = #map}, {transform_indices = #map2}]} {
    %mul3A = arith.constant 2 : i32
    %mul3A_0 = arith.muli %arg1, %mul3A : i32
    %add3A = arith.addi %mul3A_0, %arg0 : i32
    %mul3A_1 = arith.constant 625 : i32
    %mul3A_2 = arith.muli %arg1, %mul3A_1 : i32
    "tpu.region"() ({
      %run_scoped3A = tpu.sem_alloc : memref<!tpu.dma_semaphore, #tpu.memory_space<semaphore_mem>>
      %dma_start3A = arith.constant 0 : i32
      %dma_start3A_9 = tpu.memref_slice %arg6[%mul3A_2, %dma_start3A] : memref<10000x80xf32, #tpu.memory_space<vmem_shared>> -> memref<625x80xf32, #tpu.memory_space<vmem_shared>>
      %dma_start3A_10 = arith.constant 0 : i32
      %dma_start3A_11 = tpu.memref_slice %arg4[%mul3A_2, %dma_start3A_10] : memref<10000x80xf32, #tpu.memory_space<hbm>> -> memref<625x80xf32, #tpu.memory_space<hbm>>
      tpu.enqueue_dma source(%dma_start3A_11 : memref<625x80xf32, #tpu.memory_space<hbm>>) target(%dma_start3A_9 : memref<625x80xf32, #tpu.memory_space<vmem_shared>>) target_semaphore(%run_scoped3A : memref<!tpu.dma_semaphore, #tpu.memory_space<semaphore_mem>>)
      %dma_wait3A = arith.constant 0 : i32
      %dma_wait3A_12 = tpu.memref_slice %arg6[%mul3A_2, %dma_wait3A] : memref<10000x80xf32, #tpu.memory_space<vmem_shared>> -> memref<625x80xf32, #tpu.memory_space<vmem_shared>>
      %dma_wait3A_13 = arith.constant 0 : i32
      %dma_wait3A_14 = tpu.memref_slice %arg4[%mul3A_2, %dma_wait3A_13] : memref<10000x80xf32, #tpu.memory_space<hbm>> -> memref<625x80xf32, #tpu.memory_space<hbm>>
      tpu.wait_dma2 semaphore(%run_scoped3A : memref<!tpu.dma_semaphore, #tpu.memory_space<semaphore_mem>>) src(%dma_wait3A_14 : memref<625x80xf32, #tpu.memory_space<hbm>>) dst(%dma_wait3A_12 : memref<625x80xf32, #tpu.memory_space<vmem_shared>>)
      tpu.yield
    }) : () -> ()
    %barrier3A = arith.constant 0 : index
    tpu.barrier barrier_id(%barrier3A)
    %scan3A = arith.constant 0 : i32
    %scan3A_3 = arith.constant 0 : i32
    %scan3A_4 = arith.constant 79 : i32
    %scan3A_5 = arith.addi %scan3A_3, %scan3A_4 : i32
    %scan3A_6 = arith.constant 1 : i32
    scf.for %scan3A_9 = %scan3A_3 to %scan3A_5 step %scan3A_6  : i32 {
      %mul3A_10 = arith.constant 32 : i32
      %mul3A_11 = arith.muli %scan3A_9, %mul3A_10 : i32
      %add3A_12 = arith.addi %add3A, %mul3A_11 : i32
      %lt3A = arith.constant 2500 : i32
      %lt3A_13 = arith.cmpi slt, %add3A_12, %lt3A : i32
      %convert_element_type3A = arith.extui %lt3A_13 : i1 to i32
      %cond3A = arith.constant 0 : i32
      %cond3A_14 = arith.cmpi ne, %convert_element_type3A, %cond3A : i32
      scf.if %cond3A_14 {
        %mul3A_15 = arith.constant 128 : i32
        %mul3A_16 = arith.muli %add3A_12, %mul3A_15 : i32
        "tpu.region"() ({
          %run_scoped3A = tpu.sem_alloc : memref<!tpu.dma_semaphore, #tpu.memory_space<semaphore_mem>>
          %dma_start3A = tpu.memref_slice %arg3[%mul3A_16] : memref<320000xi32, #tpu.memory_space<hbm>> -> memref<128xi32, #tpu.memory_space<hbm>>
          %dma_start3A_17 = tpu.memref_slice %arg3[%mul3A_16] : memref<320000xi32, #tpu.memory_space<hbm>> -> memref<128xi32, #tpu.memory_space<hbm>>
          tpu.enqueue_dma source(%dma_start3A_17 : memref<128xi32, #tpu.memory_space<hbm>>) target(%arg7 : memref<128xi32, #tpu.memory_space<vmem>>) target_semaphore(%run_scoped3A : memref<!tpu.dma_semaphore, #tpu.memory_space<semaphore_mem>>)
          %dma_wait3A = tpu.memref_slice %arg3[%mul3A_16] : memref<320000xi32, #tpu.memory_space<hbm>> -> memref<128xi32, #tpu.memory_space<hbm>>
          %dma_wait3A_18 = tpu.memref_slice %arg3[%mul3A_16] : memref<320000xi32, #tpu.memory_space<hbm>> -> memref<128xi32, #tpu.memory_space<hbm>>
          tpu.wait_dma2 semaphore(%run_scoped3A : memref<!tpu.dma_semaphore, #tpu.memory_space<semaphore_mem>>) src(%dma_wait3A_18 : memref<128xi32, #tpu.memory_space<hbm>>) dst(%arg7 : memref<128xi32, #tpu.memory_space<vmem>>)
          tpu.yield
        }) : () -> ()
        "tpu.region"() ({
          %run_scoped3A = tpu.sem_alloc : memref<!tpu.dma_semaphore, #tpu.memory_space<semaphore_mem>>
          %dma_start3A = arith.constant 0 : i32
          %dma_start3A_17 = tpu.memref_slice %arg2[%mul3A_16, %dma_start3A] : memref<320000x80xf32, #tpu.memory_space<hbm>> -> memref<128x80xf32, #tpu.memory_space<hbm>>
          %dma_start3A_18 = arith.constant 0 : i32
          %dma_start3A_19 = tpu.memref_slice %arg2[%mul3A_16, %dma_start3A_18] : memref<320000x80xf32, #tpu.memory_space<hbm>> -> memref<128x80xf32, #tpu.memory_space<hbm>>
          tpu.enqueue_dma source(%dma_start3A_19 : memref<128x80xf32, #tpu.memory_space<hbm>>) target(%arg8 : memref<128x80xf32, #tpu.memory_space<vmem>>) target_semaphore(%run_scoped3A : memref<!tpu.dma_semaphore, #tpu.memory_space<semaphore_mem>>)
          %dma_wait3A = arith.constant 0 : i32
          %dma_wait3A_20 = tpu.memref_slice %arg2[%mul3A_16, %dma_wait3A] : memref<320000x80xf32, #tpu.memory_space<hbm>> -> memref<128x80xf32, #tpu.memory_space<hbm>>
          %dma_wait3A_21 = arith.constant 0 : i32
          %dma_wait3A_22 = tpu.memref_slice %arg2[%mul3A_16, %dma_wait3A_21] : memref<320000x80xf32, #tpu.memory_space<hbm>> -> memref<128x80xf32, #tpu.memory_space<hbm>>
          tpu.wait_dma2 semaphore(%run_scoped3A : memref<!tpu.dma_semaphore, #tpu.memory_space<semaphore_mem>>) src(%dma_wait3A_22 : memref<128x80xf32, #tpu.memory_space<hbm>>) dst(%arg8 : memref<128x80xf32, #tpu.memory_space<vmem>>)
          tpu.yield
        }) : () -> ()
        "tpu.region"() ({
          %run_scoped3A = tpu.sem_alloc : memref<!tpu.dma_semaphore, #tpu.memory_space<semaphore_mem>>
          %dma_start3A = arith.constant 0 : i32
          %dma_start3A_17 = arith.constant 0 : i32
          %dma_start3A_18 = tpu.memref_slice %arg6[%dma_start3A, %dma_start3A_17] : memref<10000x80xf32, #tpu.memory_space<vmem_shared>> -> memref<10000x80xf32, #tpu.memory_space<vmem_shared>>
          tpu.enqueue_indirect_dma source(%arg8 : memref<128x80xf32, #tpu.memory_space<vmem>>) target(%dma_start3A_18 : memref<10000x80xf32, #tpu.memory_space<vmem_shared>>) offsets(%arg7 : memref<128xi32, #tpu.memory_space<vmem>>) semaphore(%run_scoped3A : memref<!tpu.dma_semaphore, #tpu.memory_space<semaphore_mem>>) {add = true}
          %dma_wait3A = arith.constant 0 : i32
          %dma_wait3A_19 = arith.constant 0 : i32
          %dma_wait3A_20 = tpu.memref_slice %arg6[%dma_wait3A, %dma_wait3A_19] : memref<10000x80xf32, #tpu.memory_space<vmem_shared>> -> memref<10000x80xf32, #tpu.memory_space<vmem_shared>>
          tpu.wait_indirect_dma semaphore(%run_scoped3A : memref<!tpu.dma_semaphore, #tpu.memory_space<semaphore_mem>>) src(%arg8 : memref<128x80xf32, #tpu.memory_space<vmem>>) dst(%dma_wait3A_20 : memref<10000x80xf32, #tpu.memory_space<vmem_shared>>)
          tpu.yield
        }) : () -> ()
      } else {
      }
    }
    %scan3A_7 = arith.constant 79 : i32
    %barrier3A_8 = arith.constant 0 : index
    tpu.barrier barrier_id(%barrier3A_8)
    "tpu.region"() ({
      %run_scoped3A = tpu.sem_alloc : memref<!tpu.dma_semaphore, #tpu.memory_space<semaphore_mem>>
      %dma_start3A = arith.constant 0 : i32
      %dma_start3A_9 = tpu.memref_slice %arg5[%arg0, %mul3A_2, %dma_start3A] : memref<2x10000x80xf32, #tpu.memory_space<hbm>> -> memref<1x625x80xf32, #tpu.memory_space<hbm>>
      %dma_start3A_10 = tpu.memref_squeeze %dma_start3A_9 : memref<1x625x80xf32, #tpu.memory_space<hbm>> -> memref<625x80xf32, #tpu.memory_space<hbm>>
      %dma_start3A_11 = arith.constant 0 : i32
      %dma_start3A_12 = tpu.memref_slice %arg6[%mul3A_2, %dma_start3A_11] : memref<10000x80xf32, #tpu.memory_space<vmem_shared>> -> memref<625x80xf32, #tpu.memory_space<vmem_shared>>
      tpu.enqueue_dma source(%dma_start3A_12 : memref<625x80xf32, #tpu.memory_space<vmem_shared>>) target(%dma_start3A_10 : memref<625x80xf32, #tpu.memory_space<hbm>>) target_semaphore(%run_scoped3A : memref<!tpu.dma_semaphore, #tpu.memory_space<semaphore_mem>>)
      %dma_wait3A = arith.constant 0 : i32
      %dma_wait3A_13 = tpu.memref_slice %arg5[%arg0, %mul3A_2, %dma_wait3A] : memref<2x10000x80xf32, #tpu.memory_space<hbm>> -> memref<1x625x80xf32, #tpu.memory_space<hbm>>
      %dma_wait3A_14 = tpu.memref_squeeze %dma_wait3A_13 : memref<1x625x80xf32, #tpu.memory_space<hbm>> -> memref<625x80xf32, #tpu.memory_space<hbm>>
      %dma_wait3A_15 = arith.constant 0 : i32
      %dma_wait3A_16 = tpu.memref_slice %arg6[%mul3A_2, %dma_wait3A_15] : memref<10000x80xf32, #tpu.memory_space<vmem_shared>> -> memref<625x80xf32, #tpu.memory_space<vmem_shared>>
      tpu.wait_dma2 semaphore(%run_scoped3A : memref<!tpu.dma_semaphore, #tpu.memory_space<semaphore_mem>>) src(%dma_wait3A_16 : memref<625x80xf32, #tpu.memory_space<vmem_shared>>) dst(%dma_wait3A_14 : memref<625x80xf32, #tpu.memory_space<hbm>>)
      tpu.yield
    }) : () -> ()
    return
  }
}

#map = affine_map<(d0, d1) -> (0, 0)>
#map1 = affine_map<(d0, d1) -> (0)>
module attributes {stable_mosaic.version = 14 : i64} {
  func.func @_sc_gather(%arg0: i32, %arg1: i32, %arg2: memref<10000x32xf32, #tpu.memory_space<hbm>>, %arg3: memref<320000xi32, #tpu.memory_space<hbm>>, %arg4: memref<320000xi32, #tpu.memory_space<hbm>>, %arg5: memref<320000x32xf32, #tpu.memory_space<hbm>>, %arg6: memref<320000x32xf32, #tpu.memory_space<hbm>>, %arg7: memref<128xi32, #tpu.memory_space<vmem>>, %arg8: memref<128x32xf32, #tpu.memory_space<vmem>>, %arg9: memref<!tpu.dma_semaphore, #tpu.memory_space<semaphore_mem>>) attributes {dimension_semantics = [#tpu.dimension_semantics<core_parallel>, #tpu.dimension_semantics<subcore_parallel>], iteration_bounds = array<i64: 2, 16>, scalar_prefetch = 0 : i64, scratch_operands = 3 : i64, tpu.core_type = #tpu.core_type<sc_vector_subcore>, window_params = [{transform_indices = #map}, {transform_indices = #map1}, {transform_indices = #map1}, {transform_indices = #map}, {transform_indices = #map}]} {
    %mul3A = arith.constant 2 : i32
    %mul3A_0 = arith.muli %arg1, %mul3A : i32
    %add3A = arith.addi %mul3A_0, %arg0 : i32
    %scan3A = arith.constant 0 : i32
    %scan3A_1 = arith.constant 0 : i32
    %scan3A_2 = arith.constant 79 : i32
    %scan3A_3 = arith.addi %scan3A_1, %scan3A_2 : i32
    %scan3A_4 = arith.constant 1 : i32
    scf.for %scan3A_6 = %scan3A_1 to %scan3A_3 step %scan3A_4  : i32 {
      %mul3A_7 = arith.constant 32 : i32
      %mul3A_8 = arith.muli %scan3A_6, %mul3A_7 : i32
      %add3A_9 = arith.addi %add3A, %mul3A_8 : i32
      %lt3A = arith.constant 2500 : i32
      %lt3A_10 = arith.cmpi slt, %add3A_9, %lt3A : i32
      %convert_element_type3A = arith.extui %lt3A_10 : i1 to i32
      %cond3A = arith.constant 0 : i32
      %cond3A_11 = arith.cmpi ne, %convert_element_type3A, %cond3A : i32
      scf.if %cond3A_11 {
        %mul3A_12 = arith.constant 128 : i32
        %mul3A_13 = arith.muli %add3A_9, %mul3A_12 : i32
        "tpu.region"() ({
          %run_scoped3A = tpu.sem_alloc : memref<!tpu.dma_semaphore, #tpu.memory_space<semaphore_mem>>
          %dma_start3A_24 = tpu.memref_slice %arg3[%mul3A_13] : memref<320000xi32, #tpu.memory_space<hbm>> -> memref<128xi32, #tpu.memory_space<hbm>>
          %dma_start3A_25 = tpu.memref_slice %arg3[%mul3A_13] : memref<320000xi32, #tpu.memory_space<hbm>> -> memref<128xi32, #tpu.memory_space<hbm>>
          tpu.enqueue_dma source(%dma_start3A_25 : memref<128xi32, #tpu.memory_space<hbm>>) target(%arg7 : memref<128xi32, #tpu.memory_space<vmem>>) target_semaphore(%run_scoped3A : memref<!tpu.dma_semaphore, #tpu.memory_space<semaphore_mem>>)
          %dma_wait3A_26 = tpu.memref_slice %arg3[%mul3A_13] : memref<320000xi32, #tpu.memory_space<hbm>> -> memref<128xi32, #tpu.memory_space<hbm>>
          %dma_wait3A_27 = tpu.memref_slice %arg3[%mul3A_13] : memref<320000xi32, #tpu.memory_space<hbm>> -> memref<128xi32, #tpu.memory_space<hbm>>
          tpu.wait_dma2 semaphore(%run_scoped3A : memref<!tpu.dma_semaphore, #tpu.memory_space<semaphore_mem>>) src(%dma_wait3A_27 : memref<128xi32, #tpu.memory_space<hbm>>) dst(%arg7 : memref<128xi32, #tpu.memory_space<vmem>>)
          tpu.yield
        }) : () -> ()
        %dma_start3A = arith.constant 0 : i32
        %dma_start3A_14 = arith.constant 0 : i32
        %dma_start3A_15 = tpu.memref_slice %arg2[%dma_start3A, %dma_start3A_14] : memref<10000x32xf32, #tpu.memory_space<hbm>> -> memref<10000x32xf32, #tpu.memory_space<hbm>>
        tpu.enqueue_indirect_dma source(%dma_start3A_15 : memref<10000x32xf32, #tpu.memory_space<hbm>>) target(%arg8 : memref<128x32xf32, #tpu.memory_space<vmem>>) offsets(%arg7 : memref<128xi32, #tpu.memory_space<vmem>>) semaphore(%arg9 : memref<!tpu.dma_semaphore, #tpu.memory_space<semaphore_mem>>)
        %dma_wait3A = arith.constant 0 : i32
        %dma_wait3A_16 = arith.constant 0 : i32
        %dma_wait3A_17 = tpu.memref_slice %arg2[%dma_wait3A, %dma_wait3A_16] : memref<10000x32xf32, #tpu.memory_space<hbm>> -> memref<10000x32xf32, #tpu.memory_space<hbm>>
        tpu.wait_indirect_dma semaphore(%arg9 : memref<!tpu.dma_semaphore, #tpu.memory_space<semaphore_mem>>) src(%dma_wait3A_17 : memref<10000x32xf32, #tpu.memory_space<hbm>>) dst(%arg8 : memref<128x32xf32, #tpu.memory_space<vmem>>)
        "tpu.region"() ({
          %run_scoped3A = tpu.sem_alloc : memref<!tpu.dma_semaphore, #tpu.memory_space<semaphore_mem>>
          %dma_start3A_24 = arith.constant 0 : i32
          %dma_start3A_25 = tpu.memref_slice %arg5[%mul3A_13, %dma_start3A_24] : memref<320000x32xf32, #tpu.memory_space<hbm>> -> memref<128x32xf32, #tpu.memory_space<hbm>>
          %dma_start3A_26 = arith.constant 0 : i32
          %dma_start3A_27 = tpu.memref_slice %arg5[%mul3A_13, %dma_start3A_26] : memref<320000x32xf32, #tpu.memory_space<hbm>> -> memref<128x32xf32, #tpu.memory_space<hbm>>
          tpu.enqueue_dma source(%arg8 : memref<128x32xf32, #tpu.memory_space<vmem>>) target(%dma_start3A_27 : memref<128x32xf32, #tpu.memory_space<hbm>>) target_semaphore(%run_scoped3A : memref<!tpu.dma_semaphore, #tpu.memory_space<semaphore_mem>>)
          %dma_wait3A_28 = arith.constant 0 : i32
          %dma_wait3A_29 = tpu.memref_slice %arg5[%mul3A_13, %dma_wait3A_28] : memref<320000x32xf32, #tpu.memory_space<hbm>> -> memref<128x32xf32, #tpu.memory_space<hbm>>
          %dma_wait3A_30 = arith.constant 0 : i32
          %dma_wait3A_31 = tpu.memref_slice %arg5[%mul3A_13, %dma_wait3A_30] : memref<320000x32xf32, #tpu.memory_space<hbm>> -> memref<128x32xf32, #tpu.memory_space<hbm>>
          tpu.wait_dma2 semaphore(%run_scoped3A : memref<!tpu.dma_semaphore, #tpu.memory_space<semaphore_mem>>) src(%arg8 : memref<128x32xf32, #tpu.memory_space<vmem>>) dst(%dma_wait3A_31 : memref<128x32xf32, #tpu.memory_space<hbm>>)
          tpu.yield
        }) : () -> ()
        "tpu.region"() ({
          %run_scoped3A = tpu.sem_alloc : memref<!tpu.dma_semaphore, #tpu.memory_space<semaphore_mem>>
          %dma_start3A_24 = tpu.memref_slice %arg4[%mul3A_13] : memref<320000xi32, #tpu.memory_space<hbm>> -> memref<128xi32, #tpu.memory_space<hbm>>
          %dma_start3A_25 = tpu.memref_slice %arg4[%mul3A_13] : memref<320000xi32, #tpu.memory_space<hbm>> -> memref<128xi32, #tpu.memory_space<hbm>>
          tpu.enqueue_dma source(%dma_start3A_25 : memref<128xi32, #tpu.memory_space<hbm>>) target(%arg7 : memref<128xi32, #tpu.memory_space<vmem>>) target_semaphore(%run_scoped3A : memref<!tpu.dma_semaphore, #tpu.memory_space<semaphore_mem>>)
          %dma_wait3A_26 = tpu.memref_slice %arg4[%mul3A_13] : memref<320000xi32, #tpu.memory_space<hbm>> -> memref<128xi32, #tpu.memory_space<hbm>>
          %dma_wait3A_27 = tpu.memref_slice %arg4[%mul3A_13] : memref<320000xi32, #tpu.memory_space<hbm>> -> memref<128xi32, #tpu.memory_space<hbm>>
          tpu.wait_dma2 semaphore(%run_scoped3A : memref<!tpu.dma_semaphore, #tpu.memory_space<semaphore_mem>>) src(%dma_wait3A_27 : memref<128xi32, #tpu.memory_space<hbm>>) dst(%arg7 : memref<128xi32, #tpu.memory_space<vmem>>)
          tpu.yield
        }) : () -> ()
        %dma_start3A_18 = arith.constant 0 : i32
        %dma_start3A_19 = arith.constant 0 : i32
        %dma_start3A_20 = tpu.memref_slice %arg2[%dma_start3A_18, %dma_start3A_19] : memref<10000x32xf32, #tpu.memory_space<hbm>> -> memref<10000x32xf32, #tpu.memory_space<hbm>>
        tpu.enqueue_indirect_dma source(%dma_start3A_20 : memref<10000x32xf32, #tpu.memory_space<hbm>>) target(%arg8 : memref<128x32xf32, #tpu.memory_space<vmem>>) offsets(%arg7 : memref<128xi32, #tpu.memory_space<vmem>>) semaphore(%arg9 : memref<!tpu.dma_semaphore, #tpu.memory_space<semaphore_mem>>)
        %dma_wait3A_21 = arith.constant 0 : i32
        %dma_wait3A_22 = arith.constant 0 : i32
        %dma_wait3A_23 = tpu.memref_slice %arg2[%dma_wait3A_21, %dma_wait3A_22] : memref<10000x32xf32, #tpu.memory_space<hbm>> -> memref<10000x32xf32, #tpu.memory_space<hbm>>
        tpu.wait_indirect_dma semaphore(%arg9 : memref<!tpu.dma_semaphore, #tpu.memory_space<semaphore_mem>>) src(%dma_wait3A_23 : memref<10000x32xf32, #tpu.memory_space<hbm>>) dst(%arg8 : memref<128x32xf32, #tpu.memory_space<vmem>>)
        "tpu.region"() ({
          %run_scoped3A = tpu.sem_alloc : memref<!tpu.dma_semaphore, #tpu.memory_space<semaphore_mem>>
          %dma_start3A_24 = arith.constant 0 : i32
          %dma_start3A_25 = tpu.memref_slice %arg6[%mul3A_13, %dma_start3A_24] : memref<320000x32xf32, #tpu.memory_space<hbm>> -> memref<128x32xf32, #tpu.memory_space<hbm>>
          %dma_start3A_26 = arith.constant 0 : i32
          %dma_start3A_27 = tpu.memref_slice %arg6[%mul3A_13, %dma_start3A_26] : memref<320000x32xf32, #tpu.memory_space<hbm>> -> memref<128x32xf32, #tpu.memory_space<hbm>>
          tpu.enqueue_dma source(%arg8 : memref<128x32xf32, #tpu.memory_space<vmem>>) target(%dma_start3A_27 : memref<128x32xf32, #tpu.memory_space<hbm>>) target_semaphore(%run_scoped3A : memref<!tpu.dma_semaphore, #tpu.memory_space<semaphore_mem>>)
          %dma_wait3A_28 = arith.constant 0 : i32
          %dma_wait3A_29 = tpu.memref_slice %arg6[%mul3A_13, %dma_wait3A_28] : memref<320000x32xf32, #tpu.memory_space<hbm>> -> memref<128x32xf32, #tpu.memory_space<hbm>>
          %dma_wait3A_30 = arith.constant 0 : i32
          %dma_wait3A_31 = tpu.memref_slice %arg6[%mul3A_13, %dma_wait3A_30] : memref<320000x32xf32, #tpu.memory_space<hbm>> -> memref<128x32xf32, #tpu.memory_space<hbm>>
          tpu.wait_dma2 semaphore(%run_scoped3A : memref<!tpu.dma_semaphore, #tpu.memory_space<semaphore_mem>>) src(%arg8 : memref<128x32xf32, #tpu.memory_space<vmem>>) dst(%dma_wait3A_31 : memref<128x32xf32, #tpu.memory_space<hbm>>)
          tpu.yield
        }) : () -> ()
      } else {
      }
    }
    %scan3A_5 = arith.constant 79 : i32
    return
  }
}

module attributes {stable_mosaic.version = 14 : i64} {
  func.func @_edge_body(%arg0: i32, %arg1: memref<640x32xf32, #tpu.memory_space<vmem>>, %arg2: memref<640x32xf32, #tpu.memory_space<vmem>>, %arg3: memref<16x16xf32, #tpu.memory_space<vmem>>, %arg4: memref<16x64xf32, #tpu.memory_space<vmem>>, %arg5: memref<64x1024xf32, #tpu.memory_space<vmem>>, %arg6: memref<640x80xf32, #tpu.memory_space<vmem>>) attributes {dimension_semantics = [#tpu.dimension_semantics<arbitrary>], iteration_bounds = array<i64: 500>, scalar_prefetch = 0 : i64, scratch_operands = 0 : i64, tpu.core_type = #tpu.core_type<tc>, window_params = [{transform_indices = @transform_0, window_bounds = array<i64: 640, 32>}, {transform_indices = @transform_1, window_bounds = array<i64: 640, 32>}, {pipeline_mode = #tpu.pipeline_mode<synchronous>, transform_indices = @transform_2, window_bounds = array<i64: 16, 16>}, {pipeline_mode = #tpu.pipeline_mode<synchronous>, transform_indices = @transform_3, window_bounds = array<i64: 16, 64>}, {pipeline_mode = #tpu.pipeline_mode<synchronous>, transform_indices = @transform_4, window_bounds = array<i64: 64, 1024>}, {transform_indices = @transform_5, window_bounds = array<i64: 640, 80>}]} {
    %get3A = arith.constant 0 : index
    %get3A_0 = arith.constant 0 : index
    %get3A_1 = vector.load %arg1[%get3A, %get3A_0] : memref<640x32xf32, #tpu.memory_space<vmem>>, vector<640x32xf32>
    %get3A_2 = arith.constant 0 : index
    %get3A_3 = arith.constant 0 : index
    %get3A_4 = vector.load %arg2[%get3A_2, %get3A_3] : memref<640x32xf32, #tpu.memory_space<vmem>>, vector<640x32xf32>
    %slice3A = vector.extract_strided_slice %get3A_1 {offsets = [0, 0], sizes = [640, 16], strides = [1, 1]} : vector<640x32xf32> to vector<640x16xf32>
    %slice3A_5 = vector.extract_strided_slice %get3A_4 {offsets = [0, 0], sizes = [640, 16], strides = [1, 1]} : vector<640x32xf32> to vector<640x16xf32>
    %sub3A = arith.subf %slice3A, %slice3A_5 : vector<640x16xf32>
    %get3A_6 = arith.constant 0 : index
    %get3A_7 = arith.constant 0 : index
    %get3A_8 = vector.load %arg3[%get3A_6, %get3A_7] : memref<16x16xf32, #tpu.memory_space<vmem>>, vector<16x16xf32>
    %dot_general3A = arith.constant dense<0.000000e+00> : vector<640x16xf32>
    %dot_general3A_9 = tpu.matmul %sub3A, %get3A_8, %dot_general3A {dimension_numbers = #tpu.dot_dimension_numbers<[1], [0], [0], [1], [0, 0, 1, 1], [], []>, transpose_lhs_hint = false} : vector<640x16xf32>, vector<16x16xf32>, vector<640x16xf32> -> vector<640x16xf32>
    %gt3A = arith.constant 0.000000e+00 : f32
    %gt3A_10 = vector.broadcast %gt3A : f32 to vector<640x16xf32>
    %gt3A_11 = arith.cmpf ogt, %dot_general3A_9, %gt3A_10 : vector<640x16xf32>
    %min3A = arith.constant 0.000000e+00 : f32
    %min3A_12 = vector.broadcast %min3A : f32 to vector<640x16xf32>
    %min3A_13 = arith.minimumf %dot_general3A_9, %min3A_12 : vector<640x16xf32>
    %exp3A = math.exp %min3A_13 : vector<640x16xf32>
    %sub3A_14 = arith.constant 1.000000e+00 : f32
    %sub3A_15 = vector.broadcast %sub3A_14 : f32 to vector<640x16xf32>
    %sub3A_16 = arith.subf %exp3A, %sub3A_15 : vector<640x16xf32>
    %select_n3A = arith.select %gt3A_11, %dot_general3A_9, %sub3A_16 : vector<640x16xi1>, vector<640x16xf32>
    %get3A_17 = arith.constant 0 : index
    %get3A_18 = arith.constant 0 : index
    %get3A_19 = vector.load %arg4[%get3A_17, %get3A_18] : memref<16x64xf32, #tpu.memory_space<vmem>>, vector<16x64xf32>
    %dot_general3A_20 = arith.constant dense<0.000000e+00> : vector<640x64xf32>
    %dot_general3A_21 = tpu.matmul %select_n3A, %get3A_19, %dot_general3A_20 {dimension_numbers = #tpu.dot_dimension_numbers<[1], [0], [0], [1], [0, 0, 1, 1], [], []>, transpose_lhs_hint = false} : vector<640x16xf32>, vector<16x64xf32>, vector<640x64xf32> -> vector<640x64xf32>
    %gt3A_22 = arith.constant 0.000000e+00 : f32
    %gt3A_23 = vector.broadcast %gt3A_22 : f32 to vector<640x64xf32>
    %gt3A_24 = arith.cmpf ogt, %dot_general3A_21, %gt3A_23 : vector<640x64xf32>
    %min3A_25 = arith.constant 0.000000e+00 : f32
    %min3A_26 = vector.broadcast %min3A_25 : f32 to vector<640x64xf32>
    %min3A_27 = arith.minimumf %dot_general3A_21, %min3A_26 : vector<640x64xf32>
    %exp3A_28 = math.exp %min3A_27 : vector<640x64xf32>
    %sub3A_29 = arith.constant 1.000000e+00 : f32
    %sub3A_30 = vector.broadcast %sub3A_29 : f32 to vector<640x64xf32>
    %sub3A_31 = arith.subf %exp3A_28, %sub3A_30 : vector<640x64xf32>
    %select_n3A_32 = arith.select %gt3A_24, %dot_general3A_21, %sub3A_31 : vector<640x64xi1>, vector<640x64xf32>
    %get3A_33 = arith.constant 0 : index
    %get3A_34 = arith.constant 0 : index
    %get3A_35 = vector.load %arg5[%get3A_33, %get3A_34] : memref<64x1024xf32, #tpu.memory_space<vmem>>, vector<64x1024xf32>
    %dot_general3A_36 = arith.constant dense<0.000000e+00> : vector<640x1024xf32>
    %dot_general3A_37 = tpu.matmul %select_n3A_32, %get3A_35, %dot_general3A_36 {dimension_numbers = #tpu.dot_dimension_numbers<[1], [0], [0], [1], [0, 0, 1, 1], [], []>, transpose_lhs_hint = false} : vector<640x64xf32>, vector<64x1024xf32>, vector<640x1024xf32> -> vector<640x1024xf32>
    %slice3A_38 = vector.extract_strided_slice %get3A_1 {offsets = [0, 16], sizes = [640, 16], strides = [1, 1]} : vector<640x32xf32> to vector<640x16xf32>
    %slice3A_39 = vector.extract_strided_slice %slice3A_38 {offsets = [0, 0], sizes = [640, 1], strides = [1, 1]} : vector<640x16xf32> to vector<640x1xf32>
    %slice3A_40 = vector.extract_strided_slice %dot_general3A_37 {offsets = [0, 0], sizes = [640, 64], strides = [1, 1]} : vector<640x1024xf32> to vector<640x64xf32>
    %mul3A = vector.broadcast %slice3A_39 : vector<640x1xf32> to vector<640x64xf32>
    %mul3A_41 = arith.mulf %mul3A, %slice3A_40 : vector<640x64xf32>
    %slice3A_42 = vector.extract_strided_slice %slice3A_38 {offsets = [0, 1], sizes = [640, 1], strides = [1, 1]} : vector<640x16xf32> to vector<640x1xf32>
    %slice3A_43 = vector.extract_strided_slice %dot_general3A_37 {offsets = [0, 64], sizes = [640, 64], strides = [1, 1]} : vector<640x1024xf32> to vector<640x64xf32>
    %mul3A_44 = vector.broadcast %slice3A_42 : vector<640x1xf32> to vector<640x64xf32>
    %mul3A_45 = arith.mulf %mul3A_44, %slice3A_43 : vector<640x64xf32>
    %add3A = arith.addf %mul3A_41, %mul3A_45 : vector<640x64xf32>
    %slice3A_46 = vector.extract_strided_slice %slice3A_38 {offsets = [0, 2], sizes = [640, 1], strides = [1, 1]} : vector<640x16xf32> to vector<640x1xf32>
    %slice3A_47 = vector.extract_strided_slice %dot_general3A_37 {offsets = [0, 128], sizes = [640, 64], strides = [1, 1]} : vector<640x1024xf32> to vector<640x64xf32>
    %mul3A_48 = vector.broadcast %slice3A_46 : vector<640x1xf32> to vector<640x64xf32>
    %mul3A_49 = arith.mulf %mul3A_48, %slice3A_47 : vector<640x64xf32>
    %add3A_50 = arith.addf %add3A, %mul3A_49 : vector<640x64xf32>
    %slice3A_51 = vector.extract_strided_slice %slice3A_38 {offsets = [0, 3], sizes = [640, 1], strides = [1, 1]} : vector<640x16xf32> to vector<640x1xf32>
    %slice3A_52 = vector.extract_strided_slice %dot_general3A_37 {offsets = [0, 192], sizes = [640, 64], strides = [1, 1]} : vector<640x1024xf32> to vector<640x64xf32>
    %mul3A_53 = vector.broadcast %slice3A_51 : vector<640x1xf32> to vector<640x64xf32>
    %mul3A_54 = arith.mulf %mul3A_53, %slice3A_52 : vector<640x64xf32>
    %add3A_55 = arith.addf %add3A_50, %mul3A_54 : vector<640x64xf32>
    %slice3A_56 = vector.extract_strided_slice %slice3A_38 {offsets = [0, 4], sizes = [640, 1], strides = [1, 1]} : vector<640x16xf32> to vector<640x1xf32>
    %slice3A_57 = vector.extract_strided_slice %dot_general3A_37 {offsets = [0, 256], sizes = [640, 64], strides = [1, 1]} : vector<640x1024xf32> to vector<640x64xf32>
    %mul3A_58 = vector.broadcast %slice3A_56 : vector<640x1xf32> to vector<640x64xf32>
    %mul3A_59 = arith.mulf %mul3A_58, %slice3A_57 : vector<640x64xf32>
    %add3A_60 = arith.addf %add3A_55, %mul3A_59 : vector<640x64xf32>
    %slice3A_61 = vector.extract_strided_slice %slice3A_38 {offsets = [0, 5], sizes = [640, 1], strides = [1, 1]} : vector<640x16xf32> to vector<640x1xf32>
    %slice3A_62 = vector.extract_strided_slice %dot_general3A_37 {offsets = [0, 320], sizes = [640, 64], strides = [1, 1]} : vector<640x1024xf32> to vector<640x64xf32>
    %mul3A_63 = vector.broadcast %slice3A_61 : vector<640x1xf32> to vector<640x64xf32>
    %mul3A_64 = arith.mulf %mul3A_63, %slice3A_62 : vector<640x64xf32>
    %add3A_65 = arith.addf %add3A_60, %mul3A_64 : vector<640x64xf32>
    %slice3A_66 = vector.extract_strided_slice %slice3A_38 {offsets = [0, 6], sizes = [640, 1], strides = [1, 1]} : vector<640x16xf32> to vector<640x1xf32>
    %slice3A_67 = vector.extract_strided_slice %dot_general3A_37 {offsets = [0, 384], sizes = [640, 64], strides = [1, 1]} : vector<640x1024xf32> to vector<640x64xf32>
    %mul3A_68 = vector.broadcast %slice3A_66 : vector<640x1xf32> to vector<640x64xf32>
    %mul3A_69 = arith.mulf %mul3A_68, %slice3A_67 : vector<640x64xf32>
    %add3A_70 = arith.addf %add3A_65, %mul3A_69 : vector<640x64xf32>
    %slice3A_71 = vector.extract_strided_slice %slice3A_38 {offsets = [0, 7], sizes = [640, 1], strides = [1, 1]} : vector<640x16xf32> to vector<640x1xf32>
    %slice3A_72 = vector.extract_strided_slice %dot_general3A_37 {offsets = [0, 448], sizes = [640, 64], strides = [1, 1]} : vector<640x1024xf32> to vector<640x64xf32>
    %mul3A_73 = vector.broadcast %slice3A_71 : vector<640x1xf32> to vector<640x64xf32>
    %mul3A_74 = arith.mulf %mul3A_73, %slice3A_72 : vector<640x64xf32>
    %add3A_75 = arith.addf %add3A_70, %mul3A_74 : vector<640x64xf32>
    %slice3A_76 = vector.extract_strided_slice %slice3A_38 {offsets = [0, 8], sizes = [640, 1], strides = [1, 1]} : vector<640x16xf32> to vector<640x1xf32>
    %slice3A_77 = vector.extract_strided_slice %dot_general3A_37 {offsets = [0, 512], sizes = [640, 64], strides = [1, 1]} : vector<640x1024xf32> to vector<640x64xf32>
    %mul3A_78 = vector.broadcast %slice3A_76 : vector<640x1xf32> to vector<640x64xf32>
    %mul3A_79 = arith.mulf %mul3A_78, %slice3A_77 : vector<640x64xf32>
    %add3A_80 = arith.addf %add3A_75, %mul3A_79 : vector<640x64xf32>
    %slice3A_81 = vector.extract_strided_slice %slice3A_38 {offsets = [0, 9], sizes = [640, 1], strides = [1, 1]} : vector<640x16xf32> to vector<640x1xf32>
    %slice3A_82 = vector.extract_strided_slice %dot_general3A_37 {offsets = [0, 576], sizes = [640, 64], strides = [1, 1]} : vector<640x1024xf32> to vector<640x64xf32>
    %mul3A_83 = vector.broadcast %slice3A_81 : vector<640x1xf32> to vector<640x64xf32>
    %mul3A_84 = arith.mulf %mul3A_83, %slice3A_82 : vector<640x64xf32>
    %add3A_85 = arith.addf %add3A_80, %mul3A_84 : vector<640x64xf32>
    %slice3A_86 = vector.extract_strided_slice %slice3A_38 {offsets = [0, 10], sizes = [640, 1], strides = [1, 1]} : vector<640x16xf32> to vector<640x1xf32>
    %slice3A_87 = vector.extract_strided_slice %dot_general3A_37 {offsets = [0, 640], sizes = [640, 64], strides = [1, 1]} : vector<640x1024xf32> to vector<640x64xf32>
    %mul3A_88 = vector.broadcast %slice3A_86 : vector<640x1xf32> to vector<640x64xf32>
    %mul3A_89 = arith.mulf %mul3A_88, %slice3A_87 : vector<640x64xf32>
    %add3A_90 = arith.addf %add3A_85, %mul3A_89 : vector<640x64xf32>
    %slice3A_91 = vector.extract_strided_slice %slice3A_38 {offsets = [0, 11], sizes = [640, 1], strides = [1, 1]} : vector<640x16xf32> to vector<640x1xf32>
    %slice3A_92 = vector.extract_strided_slice %dot_general3A_37 {offsets = [0, 704], sizes = [640, 64], strides = [1, 1]} : vector<640x1024xf32> to vector<640x64xf32>
    %mul3A_93 = vector.broadcast %slice3A_91 : vector<640x1xf32> to vector<640x64xf32>
    %mul3A_94 = arith.mulf %mul3A_93, %slice3A_92 : vector<640x64xf32>
    %add3A_95 = arith.addf %add3A_90, %mul3A_94 : vector<640x64xf32>
    %slice3A_96 = vector.extract_strided_slice %slice3A_38 {offsets = [0, 12], sizes = [640, 1], strides = [1, 1]} : vector<640x16xf32> to vector<640x1xf32>
    %slice3A_97 = vector.extract_strided_slice %dot_general3A_37 {offsets = [0, 768], sizes = [640, 64], strides = [1, 1]} : vector<640x1024xf32> to vector<640x64xf32>
    %mul3A_98 = vector.broadcast %slice3A_96 : vector<640x1xf32> to vector<640x64xf32>
    %mul3A_99 = arith.mulf %mul3A_98, %slice3A_97 : vector<640x64xf32>
    %add3A_100 = arith.addf %add3A_95, %mul3A_99 : vector<640x64xf32>
    %slice3A_101 = vector.extract_strided_slice %slice3A_38 {offsets = [0, 13], sizes = [640, 1], strides = [1, 1]} : vector<640x16xf32> to vector<640x1xf32>
    %slice3A_102 = vector.extract_strided_slice %dot_general3A_37 {offsets = [0, 832], sizes = [640, 64], strides = [1, 1]} : vector<640x1024xf32> to vector<640x64xf32>
    %mul3A_103 = vector.broadcast %slice3A_101 : vector<640x1xf32> to vector<640x64xf32>
    %mul3A_104 = arith.mulf %mul3A_103, %slice3A_102 : vector<640x64xf32>
    %add3A_105 = arith.addf %add3A_100, %mul3A_104 : vector<640x64xf32>
    %slice3A_106 = vector.extract_strided_slice %slice3A_38 {offsets = [0, 14], sizes = [640, 1], strides = [1, 1]} : vector<640x16xf32> to vector<640x1xf32>
    %slice3A_107 = vector.extract_strided_slice %dot_general3A_37 {offsets = [0, 896], sizes = [640, 64], strides = [1, 1]} : vector<640x1024xf32> to vector<640x64xf32>
    %mul3A_108 = vector.broadcast %slice3A_106 : vector<640x1xf32> to vector<640x64xf32>
    %mul3A_109 = arith.mulf %mul3A_108, %slice3A_107 : vector<640x64xf32>
    %add3A_110 = arith.addf %add3A_105, %mul3A_109 : vector<640x64xf32>
    %slice3A_111 = vector.extract_strided_slice %slice3A_38 {offsets = [0, 15], sizes = [640, 1], strides = [1, 1]} : vector<640x16xf32> to vector<640x1xf32>
    %slice3A_112 = vector.extract_strided_slice %dot_general3A_37 {offsets = [0, 960], sizes = [640, 64], strides = [1, 1]} : vector<640x1024xf32> to vector<640x64xf32>
    %mul3A_113 = vector.broadcast %slice3A_111 : vector<640x1xf32> to vector<640x64xf32>
    %mul3A_114 = arith.mulf %mul3A_113, %slice3A_112 : vector<640x64xf32>
    %add3A_115 = arith.addf %add3A_110, %mul3A_114 : vector<640x64xf32>
    %swap3A = arith.constant 0 : index
    %swap3A_116 = arith.constant 0 : index
    %swap3A_117 = vector.load %arg6[%swap3A, %swap3A_116] : memref<640x80xf32, #tpu.memory_space<vmem>>, vector<640x64xf32>
    tpu.vector_store %arg6[%swap3A, %swap3A_116], %add3A_115 {strides = array<i32>} : memref<640x80xf32, #tpu.memory_space<vmem>>, vector<640x64xf32>,
    %iota3A = tpu.iota {dimensions = array<i32: 1>} : vector<640x16xi32>
    %eq3A = arith.constant 0 : i32
    %eq3A_118 = vector.broadcast %eq3A : i32 to vector<640x16xi32>
    %eq3A_119 = arith.cmpi eq, %iota3A, %eq3A_118 : vector<640x16xi32>
    %jit3A = arith.constant 1.000000e+00 : f32
    %jit3A_120 = arith.constant 0.000000e+00 : f32
    %broadcast_in_dim3A = vector.broadcast %jit3A : f32 to vector<640x16xf32>
    %broadcast_in_dim3A_121 = vector.broadcast %jit3A_120 : f32 to vector<640x16xf32>
    %select_n3A_122 = arith.select %eq3A_119, %broadcast_in_dim3A, %broadcast_in_dim3A_121 : vector<640x16xi1>, vector<640x16xf32>
    %swap3A_123 = arith.constant 0 : index
    %swap3A_124 = arith.constant 64 : index
    %swap3A_125 = vector.load %arg6[%swap3A_123, %swap3A_124] : memref<640x80xf32, #tpu.memory_space<vmem>>, vector<640x16xf32>
    tpu.vector_store %arg6[%swap3A_123, %swap3A_124], %select_n3A_122 {strides = array<i32>} : memref<640x80xf32, #tpu.memory_space<vmem>>, vector<640x16xf32>,
    return
  }
  func.func @transform_0(%arg0: i32) -> (i32, i32) {
    %c0_i32 = arith.constant 0 : i32
    %c0_i32_0 = arith.constant 0 : i32
    return %arg0, %c0_i32 : i32, i32
  }
  func.func @transform_1(%arg0: i32) -> (i32, i32) {
    %c0_i32 = arith.constant 0 : i32
    %c0_i32_0 = arith.constant 0 : i32
    return %arg0, %c0_i32 : i32, i32
  }
  func.func @transform_2(%arg0: i32) -> (i32, i32) {
    %c0_i32 = arith.constant 0 : i32
    %c0_i32_0 = arith.constant 0 : i32
    %c0_i32_1 = arith.constant 0 : i32
    return %c0_i32, %c0_i32_0 : i32, i32
  }
  func.func @transform_3(%arg0: i32) -> (i32, i32) {
    %c0_i32 = arith.constant 0 : i32
    %c0_i32_0 = arith.constant 0 : i32
    %c0_i32_1 = arith.constant 0 : i32
    return %c0_i32, %c0_i32_0 : i32, i32
  }
  func.func @transform_4(%arg0: i32) -> (i32, i32) {
    %c0_i32 = arith.constant 0 : i32
    %c0_i32_0 = arith.constant 0 : i32
    %c0_i32_1 = arith.constant 0 : i32
    return %c0_i32, %c0_i32_0 : i32, i32
  }
  func.func @transform_5(%arg0: i32) -> (i32, i32) {
    %c0_i32 = arith.constant 0 : i32
    %c0_i32_0 = arith.constant 0 : i32
    return %arg0, %c0_i32 : i32, i32
  }
}

module attributes {stable_mosaic.version = 14 : i64} {
  func.func @_finish_body(%arg0: i32, %arg1: memref<2x10000x80xf32, #tpu.memory_space<vmem>>, %arg2: memref<1x64xf32, #tpu.memory_space<vmem>>, %arg3: memref<10000x64xf32, #tpu.memory_space<vmem>>) attributes {dimension_semantics = [#tpu.dimension_semantics<arbitrary>], iteration_bounds = array<i64: 1>, scalar_prefetch = 0 : i64, scratch_operands = 0 : i64, tpu.core_type = #tpu.core_type<tc>, window_params = [{pipeline_mode = #tpu.pipeline_mode<synchronous>, transform_indices = @transform_0, window_bounds = array<i64: 2, 10000, 80>}, {pipeline_mode = #tpu.pipeline_mode<synchronous>, transform_indices = @transform_1, window_bounds = array<i64: 1, 64>}, {pipeline_mode = #tpu.pipeline_mode<synchronous>, transform_indices = @transform_2, window_bounds = array<i64: 10000, 64>}]} {
    %get3A = arith.constant 0 : index
    %get3A_0 = arith.constant 0 : index
    %get3A_1 = arith.constant 0 : index
    %get3A_2 = vector.load %arg1[%get3A, %get3A_0, %get3A_1] : memref<2x10000x80xf32, #tpu.memory_space<vmem>>, vector<1x10000x80xf32>
    %get3A_3 = vector.shape_cast %get3A_2 : vector<1x10000x80xf32> to vector<10000x80xf32>
    %get3A_4 = arith.constant 1 : index
    %get3A_5 = arith.constant 0 : index
    %get3A_6 = arith.constant 0 : index
    %get3A_7 = vector.load %arg1[%get3A_4, %get3A_5, %get3A_6] : memref<2x10000x80xf32, #tpu.memory_space<vmem>>, vector<1x10000x80xf32>
    %get3A_8 = vector.shape_cast %get3A_7 : vector<1x10000x80xf32> to vector<10000x80xf32>
    %add3A = arith.addf %get3A_3, %get3A_8 : vector<10000x80xf32>
    %slice3A = vector.extract_strided_slice %add3A {offsets = [0, 64], sizes = [10000, 1], strides = [1, 1]} : vector<10000x80xf32> to vector<10000x1xf32>
    %max3A = arith.constant 1.000000e+00 : f32
    %max3A_9 = vector.broadcast %max3A : f32 to vector<10000x1xf32>
    %max3A_10 = arith.maximumf %slice3A, %max3A_9 : vector<10000x1xf32>
    %slice3A_11 = vector.extract_strided_slice %add3A {offsets = [0, 0], sizes = [10000, 64], strides = [1, 1]} : vector<10000x80xf32> to vector<10000x64xf32>
    %div3A = vector.broadcast %max3A_10 : vector<10000x1xf32> to vector<10000x64xf32>
    %div3A_12 = arith.divf %slice3A_11, %div3A : vector<10000x64xf32>
    %get3A_13 = arith.constant 0 : index
    %get3A_14 = arith.constant 0 : index
    %get3A_15 = vector.load %arg2[%get3A_13, %get3A_14] : memref<1x64xf32, #tpu.memory_space<vmem>>, vector<1x64xf32>
    %add3A_16 = vector.broadcast %get3A_15 : vector<1x64xf32> to vector<10000x64xf32>
    %add3A_17 = arith.addf %div3A_12, %add3A_16 : vector<10000x64xf32>
    %ne3A = arith.cmpf one, %add3A_17, %add3A_17 : vector<10000x64xf32>
    %jit3A = arith.constant 0.000000e+00 : f32
    %broadcast_in_dim3A = vector.broadcast %jit3A : f32 to vector<10000x64xf32>
    %select_n3A = arith.select %ne3A, %broadcast_in_dim3A, %add3A_17 : vector<10000x64xi1>, vector<10000x64xf32>
    %eq3A = arith.constant 0x7F800000 : f32
    %eq3A_18 = vector.broadcast %eq3A : f32 to vector<10000x64xf32>
    %eq3A_19 = arith.cmpf oeq, %select_n3A, %eq3A_18 : vector<10000x64xf32>
    %jit3A_20 = arith.constant 1.000000e+04 : f32
    %broadcast_in_dim3A_21 = vector.broadcast %jit3A_20 : f32 to vector<10000x64xf32>
    %select_n3A_22 = arith.select %eq3A_19, %broadcast_in_dim3A_21, %select_n3A : vector<10000x64xi1>, vector<10000x64xf32>
    %eq3A_23 = arith.constant 0xFF800000 : f32
    %eq3A_24 = vector.broadcast %eq3A_23 : f32 to vector<10000x64xf32>
    %eq3A_25 = arith.cmpf oeq, %select_n3A_22, %eq3A_24 : vector<10000x64xf32>
    %jit3A_26 = arith.constant -1.000000e+04 : f32
    %broadcast_in_dim3A_27 = vector.broadcast %jit3A_26 : f32 to vector<10000x64xf32>
    %select_n3A_28 = arith.select %eq3A_25, %broadcast_in_dim3A_27, %select_n3A_22 : vector<10000x64xi1>, vector<10000x64xf32>
    %gt3A = arith.constant 5.000000e-01 : f32
    %gt3A_29 = vector.broadcast %gt3A : f32 to vector<10000x1xf32>
    %gt3A_30 = arith.cmpf ogt, %slice3A, %gt3A_29 : vector<10000x1xf32>
    %jit3A_31 = arith.constant 0.000000e+00 : f32
    %broadcast_in_dim3A_32 = vector.shape_cast %gt3A_30 : vector<10000x1xi1> to vector<10000x1xi1>
    %broadcast_in_dim3A_33 = vector.broadcast %broadcast_in_dim3A_32 : vector<10000x1xi1> to vector<10000x64xi1>
    %broadcast_in_dim3A_34 = vector.broadcast %jit3A_31 : f32 to vector<10000x64xf32>
    %select_n3A_35 = arith.select %broadcast_in_dim3A_33, %select_n3A_28, %broadcast_in_dim3A_34 : vector<10000x64xi1>, vector<10000x64xf32>
    %swap3A = arith.constant 0 : index
    %swap3A_36 = arith.constant 0 : index
    %swap3A_37 = vector.load %arg3[%swap3A, %swap3A_36] : memref<10000x64xf32, #tpu.memory_space<vmem>>, vector<10000x64xf32>
    tpu.vector_store %arg3[%swap3A, %swap3A_36], %select_n3A_35 {strides = array<i32>} : memref<10000x64xf32, #tpu.memory_space<vmem>>, vector<10000x64xf32>,
    return
  }
  func.func @transform_0(%arg0: i32) -> (i32, i32, i32) {
    %c0_i32 = arith.constant 0 : i32
    %c0_i32_0 = arith.constant 0 : i32
    %c0_i32_1 = arith.constant 0 : i32
    %c0_i32_2 = arith.constant 0 : i32
    return %c0_i32, %c0_i32_0, %c0_i32_1 : i32, i32, i32
  }
  func.func @transform_1(%arg0: i32) -> (i32, i32) {
    %c0_i32 = arith.constant 0 : i32
    %c0_i32_0 = arith.constant 0 : i32
    %c0_i32_1 = arith.constant 0 : i32
    return %c0_i32, %c0_i32_0 : i32, i32
  }
  func.func @transform_2(%arg0: i32) -> (i32, i32) {
    %c0_i32 = arith.constant 0 : i32
    %c0_i32_0 = arith.constant 0 : i32
    %c0_i32_1 = arith.constant 0 : i32
    return %c0_i32, %c0_i32_0 : i32, i32
  }
}

</mosaic_0001>

<sc_bundles>
// kernel: kernel.6.cloned.1.call-start
scs
__scs_entry_jumppad:
0x0: {  	(pc) =	sbr.rel $0x88, $3  }
0x1: {  	(tag) =	ssettag $0x0;
	lr =	simm.s32 $0x1  }
0x2: {  	[smem:$0x3F99] =	sst lr;
	_ =	strace $0xD0000000  }
0x3: {  	_ = 	snop  }
0x4: {  	_ = 	snop  }
0x5: {  	_ = 	snop  }
0x6: {  	_ = 	snop  }
0x7: {  	_ = 	snop  }
__scs_overlays_trampoline_lowered:
0x8: {  	[smem:$0x3FA8] =	sst s0  }
0x9: {  	[smem:$0x3FA9] =	sst s1  }
0xa: {  	[smem:$0x3FAA] =	sst s2  }
0xb: {  	[smem:$0x3FAB] =	sst s3  }
0xc: {  	[smem:$0x3FAC] =	sst s4  }
0xd: {  	[smem:$0x3FAD] =	sst s5  }
0xe: {  	[smem:$0x3FAE] =	sst s6  }
0xf: {  	[smem:$0x3FAF] =	sst s7  }
0x10: {  	[smem:$0x3FB0] =	sst s8  }
0x11: {  	[smem:$0x3FB1] =	sst s9;
	s0 =	simm.s32 @!p0 $0x0  }
0x12: {  	s1 =	sld [smem:$0x3F97];
	s0 =	simm.s32 @p0 $0x1  }
0x13: {  	[smem:$0x3FB2] =	sst s0;
	s0 =	simm.s32 @!p1 $0x0  }
0x14: {  	s2 =	sld [smem:$0x3F96];
	s0 =	simm.s32 @p1 $0x1  }
0x15: {  	[smem:$0x3FB3] =	sst s0;
	s0 =	simm.s32 @!p2 $0x0  }
0x16: {  	s3 =	sld [smem:$0x3FDB];
	s0 =	simm.s32 @p2 $0x1  }
0x17: {  	s4 =	simm.s32 $0x1BF5;
	[smem:$0x3FB5] =	sst s0  }
0x18: {  	s0 =	sld [smem:$0x3F98];
	_ =	swait.ge [sflag:s4], $0x0  }
0x19: {  	s7 =	sld [smem:$0x3F99]  }
0x1a: {  	s8 =	sadd.s32 $0xFFFFE003, lr  }
0x1b: {  	s9 =	sadd.s32 $0xFFFFFEF7, lr;
	s5 =	simm.s32 $0xFFFFFFFF;
	p2 =	slt.u32 s8, $0xFFFFF086  }
0x1c: {  	p1 =	slt.u32 s9, $0xF7A;
	s5 =	simm.s32 @!p2 $0x0  }
0x1d: {  	s5 =	simm.s32 @p1 $0x1;
	p0 =	seq.s32 s7, s2  }
0x1e: {  	s7 =	smul.u32 @!p0 $0xF7A, s2;
	p2 =	seq.s32 @!p0 s5, $0x0  }
0x1f: {  	s9 =	smul.u32 $0xF7A, s1;
	s8 =	simm.s32 @!p0 $0x1BF5;
	p2 =	por !p2, p0  }
0x20: {  	[sflag:s8] =	ssyncset.s32 @!p0 $0xFFFFF086;
	s6 =	sadd.s32 @!p0 s3, s7;
	s7 =	simm.s32 @!p0 $0x108  }
0x21: {  	s3 =	sadd.s32 s3, s9;
	s6 =	sadd.s32 @!p0 $0x88, s6;
	s7 =	simm.s32 @p2 $0x1082  }
0x22: {  	[simem:s7], [sflag:s8] =	dma.local @!p0 [hbm:s6], $0xF7A  }
0x23: {  	s9 =	sor.u32 $0xD0000000, s2;
	s6 =	simm.s32 $0x108;
	_ =	swait.ge @!p0 [sflag:s8], $0x0  }
0x24: {  	s3 =	sadd.s32 $0x88, s3;
	s6 =	simm.s32 @!p1 $0x1082;
	[sflag:s4] =	ssyncset.s32 $0xFFFFF086  }
0x25: {  	[simem:s6], [sflag:s4] =	dma.local [hbm:s3], $0xF7A  }
0x26: {  	[smem:$0x3F99] =	sst s1;
	(tag) =	ssettag s2;
	_ =	strace s9  }
0x27: {  	s1 =	sld [smem:$0x3FA9]  }
0x28: {  	s2 =	sld [smem:$0x3FAA]  }
0x29: {  	s4 =	sld [smem:$0x3FAC]  }
0x2a: {  	p0 =	seq.s32 s5, $0x0;
	s5 =	sld [smem:$0x3FAD]  }
0x2b: {  	s6 =	sld [smem:$0x3FAE]  }
0x2c: {  	s7 =	sld [smem:$0x3FAF]  }
0x2d: {  	s3 =	simm.s32 $0x108;
	s8 =	sld [smem:$0x3FB0]  }
0x2e: {  	s3 =	simm.s32 @!p0 $0x1082;
	s9 =	sld [smem:$0x3FB1]  }
0x2f: {  	lr =	sadd.s32 s0, s3;
	s0 =	sld [smem:$0x3FA8]  }
0x30: {  	s3 =	sld [smem:$0x3FAB]  }
0x31: {  	[smem:$0x3FB4] =	sst s10  }
0x32: {  	s10 =	sld [smem:$0x3FB2];
	_ =	sdelay $0x3  }
0x33: {  	p0 =	seq.s32 s10, $0x1;
	s10 =	sld [smem:$0x3FB4];
	_ =	sdelay $0x3  }
0x34: {  	[smem:$0x3FB4] =	sst s10  }
0x35: {  	s10 =	sld [smem:$0x3FB3];
	_ =	sdelay $0x3  }
0x36: {  	p1 =	seq.s32 s10, $0x1;
	s10 =	sld [smem:$0x3FB4];
	_ =	sdelay $0x3  }
0x37: {  	[smem:$0x3FB4] =	sst s10  }
0x38: {  	s10 =	sld [smem:$0x3FB5]  }
0x39: {  	_ = 	snop;
	(pc) =	sbr.ind lr, $3  }
0x3a: {  	_ = 	snop  }
0x3b: {  	_ = 	snop  }
0x3c: {  	p2 =	seq.s32 s10, $0x1;
	s10 =	sld [smem:$0x3FB4]  }
0x3d: {  	_ =	shalt  }
0x3e: {  	_ =	shalt  }
0x3f: {  	_ =	shalt  }
0x40: {  	_ =	shalt  }
0x41: {  	_ =	shalt  }
0x42: {  	_ =	shalt  }
0x43: {  	_ =	shalt  }
0x44: {  	_ =	shalt  }
0x45: {  	_ =	shalt  }
0x46: {  	_ =	shalt  }
0x47: {  	_ =	shalt  }
0x48: {  	_ =	shalt  }
0x49: {  	_ =	shalt  }
0x4a: {  	_ =	shalt  }
0x4b: {  	_ =	shalt  }
0x4c: {  	_ =	shalt  }
0x4d: {  	_ =	shalt  }
0x4e: {  	_ =	shalt  }
0x4f: {  	_ =	shalt  }
0x50: {  	_ =	shalt  }
0x51: {  	_ =	shalt  }
0x52: {  	_ =	shalt  }
0x53: {  	_ =	shalt  }
0x54: {  	_ =	shalt  }
0x55: {  	_ =	shalt  }
0x56: {  	_ =	shalt  }
0x57: {  	_ =	shalt  }
0x58: {  	_ =	shalt  }
0x59: {  	_ =	shalt  }
0x5a: {  	_ =	shalt  }
0x5b: {  	_ =	shalt  }
0x5c: {  	_ =	shalt  }
0x5d: {  	_ =	shalt  }
0x5e: {  	_ =	shalt  }
0x5f: {  	_ =	shalt  }
0x60: {  	_ =	shalt  }
0x61: {  	_ =	shalt  }
0x62: {  	_ =	shalt  }
0x63: {  	_ =	shalt  }
0x64: {  	_ =	shalt  }
0x65: {  	_ =	shalt  }
0x66: {  	_ =	shalt  }
0x67: {  	_ =	shalt  }
0x68: {  	_ =	shalt  }
0x69: {  	_ =	shalt  }
0x6a: {  	_ =	shalt  }
0x6b: {  	_ =	shalt  }
0x6c: {  	_ =	shalt  }
0x6d: {  	_ =	shalt  }
0x6e: {  	_ =	shalt  }
0x6f: {  	_ =	shalt  }
0x70: {  	_ =	shalt  }
0x71: {  	_ =	shalt  }
0x72: {  	_ =	shalt  }
0x73: {  	_ =	shalt  }
0x74: {  	_ =	shalt  }
0x75: {  	_ =	shalt  }
0x76: {  	_ =	shalt  }
0x77: {  	_ =	shalt  }
0x78: {  	_ =	shalt  }
0x79: {  	_ =	shalt  }
0x7a: {  	_ =	shalt  }
0x7b: {  	_ =	shalt  }
0x7c: {  	_ =	shalt  }
0x7d: {  	_ =	shalt  }
0x7e: {  	_ =	shalt  }
0x7f: {  	_ =	shalt  }
0x80: {  	_ =	shalt  }
0x81: {  	_ =	shalt  }
0x82: {  	_ =	shalt  }
0x83: {  	_ =	shalt  }
0x84: {  	_ =	shalt  }
0x85: {  	_ =	shalt  }
0x86: {  	_ =	shalt  }
0x87: {  	_ =	shalt  }
.Lfunc_end0:
.L_simem_size_0:
called_computation_lowered:
.L_overlay_start_0:
0x88: {  	s2 =	sld [smem:$0x3FD9]  }
0x89: {  	s3 =	sld [smem:$0x3FFE];
	_ =	sdelay $0x1  }
0x8a: {  	s1 =	srdreg.scid  }
0x8b: {  	s0 =	sand.u32 $0x1, s1  }
0x8c: {  	s17 =	sshll.u32 s0, $0xA;
	s2 =	sadd.s32 s3, s2  }
0x8d: {  	s2 =	sadd.s32 s2, s17  }
0x8e: {  	[smem:$0x3FC0] =	sst s2  }
0x8f: {  	_ = 	snop  }
0x90: {  	s2 =	sld [smem:$0x3FC7]  }
0x91: {  	s18 =	sld [smem:$0x3FC6]  }
0x92: {  	s4 =	sld [smem:$0x3FD0];
	(tm) =	ssettm $0x1  }
0x93: {  	s5 =	sld [smem:$0x3FFB];
	_ =	sdelay $0x3  }
0x94: {  	_ =	strace s5  }
0x95: {  	s5 =	sld [smem:$0x3FFC];
	_ =	sdelay $0x3  }
0x96: {  	_ =	strace s5  }
0x97: {  	s5 =	sld [smem:$0x3FFD];
	_ =	sdelay $0x3  }
0x98: {  	_ =	strace s5  }
0x99: {  	_ =	strace $0x8FFFFFFF  }
0x9a: {  	s19 =	sld [smem:$0x3FDB];
	_ =	sdelay $0x1  }
0x9b: {  	s6 =	simm.s32 $_scs_section_size  }
0x9c: {  	s7 =	simm.s32 $_size__tile_overlayer_lowered;
	s8 =	simm.s32 $_tile_overlayer_lowered  }
0x9d: {  	s22 =	simm.s32 $0x1BFF;
	s21 =	sshll.u32 s8, $0x1;
	s5 =	sadd.s32 s6, s19  }
0x9e: {  	s9 =	simm.s32 $0x0;
	s20 =	sshll.u32 s7, $0x1;
	s7 =	sadd.s32 s21, s5  }
0x9f: {  	[timem:s9], [sflag:s22] =	dma.local [hbm:s7], s20  }
0xa0: {  	_ =	swait.ge [sflag:s22], s20  }
0xa1: {  	s6 =	ssub.s32 $0x0, s20;
	[sflag:s22] =	ssyncset.done $0x0  }
0xa2: {  	[sflag:s22] =	ssyncadd.s32 s6;
	_ =	sdelay $0x1  }
0xa3: {  	s23 =	simm.s32 $0x1B8B  }
0xa4: {  	_ =	swait.ge [sflag:s23], $0x1  }
0xa5: {  	[sflag:s23] =	ssyncset.done $0x0  }
0xa6: {  	s25 =	simm.s32 $0x1B8E;
	s24 =	sld [smem:$0x3FFE];
	[sflag:s23] =	ssyncadd.s32 $0xFFFFFFFF  }
0xa7: {  	s26 =	simm.s32 $execute0_lowered;
	[smem:$0x3FD2] =	sst s25  }
0xa8: {  	s7 =	sshll.u32 s26, $0x1;
	_ =	strace $0x80000046;
	[dreg:$0x1] =	wrdreg $0xFFFFFFFF  }
0xa9: {  	s28 =	simm.s32 $_size_execute0_lowered;
	s5 =	sadd.s32 s5, s7;
	[dreg:$0x0] =	wrdreg $0x0  }
0xaa: {  	s7 =	sshll.u32 s28, $0x1;
	[dreg:$0x2] =	wrdreg s5  }
0xab: {  	[dreg:$0x3] =	wrdreg s7  }
0xac: {  	[dreg:$0x4] =	wrdreg $0xC0  }
0xad: {  	_ =	task [dreg:s9], $0x5FFFF  }
0xae: {  	[dreg:$0x1] =	wrdreg $0xFFFFFFFF  }
0xaf: {  	[dreg:$0x0] =	wrdreg $0x60  }
0xb0: {  	[dreg:$0x2] =	wrdreg s4  }
0xb1: {  	[dreg:$0x3] =	wrdreg s2  }
0xb2: {  	[dreg:$0x4] =	wrdreg s18  }
0xb3: {  	[dreg:$0x5] =	wrdreg s24  }
0xb4: {  	[dreg:$0x6] =	wrdreg $0x9  }
0xb5: {  	_ =	task.clear_ibuf [dreg:s9], $0x7FFFF;
	_ =	strace $0x90000046  }
0xb6: {  	s29 =	simm.s32 $0x9;
	_ =	strace $0x80000048  }
0xb7: {  	_ =	swait.ge [sflag:s29], $0x1  }
0xb8: {  	[sflag:s29] =	ssyncadd.s32 $0xFFFFFFFF  }
0xb9: {  	_ =	strace $0x90000048  }
0xba: {  	_ =	sfence  }
0xbb: {  	s30 =	sld [smem:$0x0];
	_ =	sdelay $0x2  }
0xbc: {  	s31 =	sshll.u32 s1, $0xD;
	s1 =	sshrl.u32 s1, $0x2  }
0xbd: {  	s3 =	sand.u32 $0x4000, s31;
	s1 =	sadd.s32 s1, s30  }
0xbe: {  	s0 =	sor.u32 s3, s0;
	s1 =	sshll.u32 s1, $0x11  }
0xbf: {  	s0 =	sor.u32 s1, s0  }
0xc0: {  	s0 =	sadd.s32 $0x8F2B, s0  }
0xc1: {  	[sflag:s0] =	ssyncadd.remote.s32 $0x1  }
0xc2: {  	_ =	sfence.sel $0xFFFF  }
0xc3: {  	[dreg:$0x0] =	wrdreg $0xFFFFFFFF;
	(pc) =	sbr.abs _section_cstart, $3  }
0xc4: {  	[dreg:$0x1] =	wrdreg $0xFFFFFFFF  }
0xc5: {  	_ =	task.clear_ibuf [dreg:s9], $0x2FFFF;
	_ =	strace $0x9FFFFFFF  }
0xc6: {  	(tm) =	ssettm $0x7FFFFFFF  }
0xc7: {  	_ =	shalt  }
tec
execute0_lowered:
.L_overlay_start_1:
0x0: {  	(tag) =	ssettag $0x1  }
0x1: {  	s1 =	rddreg [dreg:$0x0]  }
0x2: {  	s7 =	rddreg [dreg:$0x1]  }
0x3: {  	s6 =	rddreg [dreg:$0x2]  }
0x4: {  	s4 =	rddreg [dreg:$0x3]  }
0x5: {  	s2 =	srdreg.scid;
	s0 =	rddreg [dreg:$0x4];
	s3 =	simm.s32 $0x0  }
0x6: {  	s8 =	sand.u32 $0x1, s2;
	s2 =	stileid.u32;
	[smem:$0x7FF] =	sst s3  }
0x7: {  	s5 =	ssub.s32 $0x2, s8;
	s9 =	sshll.u32 s2, $0xA;
	_ =	strace $0x80000047  }
0x8: {  	s31 =	sshll.u32 s2, $0x5;
	s11 =	sshll.u32 s8, $0x4;
	s8 =	sshll.u32 s8, $0x9  }
0x9: {  	s10 =	sshrl.u32 s5, $0x1;
	s9 =	sadd.s32 s9, s4;
	s4 =	sshll.u32 s2, $0x1  }
0xa: {  	s6 =	sadd.s32 s31, s6;
	s7 =	sadd.s32 s31, s7;
	s5 =	ssub.s32 s5, s10  }
0xb: {  	s6 =	sadd.s32 s11, s6;
	s9 =	sadd.s32 s8, s9;
	s7 =	sadd.s32 s11, s7  }
0xc: {  	s5 =	smax.u32 s5, $0x1;
	s8 =	sadd.s32 $0x1400, s9;
	s9 =	sadd.s32 $0x139C00, s9  }
.LBB2_1:
0xd: {  	p0 =	sgt.u32 s4, $0x9C3  }
0xe: {  	s10 =	sadd.s32 @!p0 $0x0, s7;
	s12 =	simm.s32 @!p0 $0x0;
	s11 =	simm.s32 @!p0 $0x3  }
0xf: {  	[tilespmem:s12], [sflag:$0x3] =	stream.linear.gather @!p0 [hbm4b:s10+s12], $0x80, $0x38;
	[tilespmem:$0x1080] =	vst v63  }
0x10: {  	_ =	swait.ge @!p0 [sflag:s11], $0x80;
	p0 =	por p0, p0  }
0x11: {  	[sflag:s11] =	ssyncset.done @!p0 $0x0  }
0x12: {  	s10 =	simm.s32 @!p0 $0x80;
	s14 =	simm.s32 @!p0 $0x1;
	[sflag:s11] =	ssyncadd.s32 @!p0 $0xFFFFFF80  }
0x13: {  	[tilespmem:s10], [sflag:$0x1] =	stream.indirect.gather @!p0 [hbm4b:s1+s10], $0x20, s12, s10, $0xb8;
	[tilespmem:$0x1080] =	vst v63  }
0x14: {  	_ =	swait.ge @!p0 [sflag:s14], $0x1000  }
0x15: {  	[sflag:s14] =	ssyncset.done @!p0 $0x0  }
0x16: {  	[sflag:s14] =	ssyncadd.s32 @!p0 $0xFFFFF000  }
0x17: {  	[hbm4b:s9+s12] =	stream.linear.scatter @!p0 [tilespmem:s10], [sflag:$0x3], $0x1000, $0x38;
	[tilespmem:$0x1080] =	vst v63  }
0x18: {  	_ =	swait.ge @!p0 [sflag:s11], $0x1000  }
0x19: {  	[sflag:s11] =	ssyncset.done @!p0 $0x0  }
0x1a: {  	s13 =	sadd.s32 @!p0 $0x0, s6;
	[sflag:s11] =	ssyncadd.s32 @!p0 $0xFFFFF000  }
0x1b: {  	[tilespmem:s12], [sflag:$0x3] =	stream.linear.gather @!p0 [hbm4b:s13+s12], $0x80, $0x38;
	[tilespmem:$0x1080] =	vst v63  }
0x1c: {  	_ =	swait.ge @!p0 [sflag:s11], $0x80  }
0x1d: {  	[sflag:s11] =	ssyncset.done @!p0 $0x0  }
0x1e: {  	[sflag:s11] =	ssyncadd.s32 @!p0 $0xFFFFFF80  }
0x1f: {  	[tilespmem:s10], [sflag:$0x1] =	stream.indirect.gather @!p0 [hbm4b:s1+s10], $0x20, s12, s10, $0xb8;
	[tilespmem:$0x1080] =	vst v63  }
0x20: {  	_ =	swait.ge @!p0 [sflag:s14], $0x1000  }
0x21: {  	[sflag:s14] =	ssyncset.done @!p0 $0x0  }
0x22: {  	s15 =	simm.s32 @!p0 $0x2;
	s13 =	simm.s32 $0x400;
	[sflag:s14] =	ssyncadd.s32 @!p0 $0xFFFFF000  }
0x23: {  	[hbm4b:s8+s12] =	stream.linear.scatter @!p0 [tilespmem:s10], [sflag:$0x2], $0x1000, $0x38;
	[tilespmem:$0x1080] =	vst v63  }
0x24: {  	s11 =	simm.s32 $0x200;
	s14 =	sadd.s32 $0x20, s4;
	s12 =	sadd.s32 $0x4000, s9  }
0x25: {  	p2 =	sgt.u32 s14, $0x9C3;
	s10 =	sadd.s32 $0x4000, s8;
	_ =	swait.ge @!p0 [sflag:s15], $0x1000  }
.LBB2_2:
0x26: {  	s16 =	sadd.s32 @!p2 s11, s7  }
0x27: {  	s17 =	simm.s32 @!p2 $0x0;
	[sflag:s15] =	ssyncset.done @!p0 $0x0;
	s18 =	smov.u32 s13  }
0x28: {  	s13 =	sadd.s32 $0x200, s13;
	s19 =	simm.s32 @!p2 $0x3;
	[sflag:s15] =	ssyncadd.s32 @!p0 $0xFFFFF000  }
0x29: {  	[tilespmem:s17], [sflag:$0x3] =	stream.linear.gather @!p2 [hbm4b:s16+s17], $0x80, $0x38;
	[tilespmem:$0x1080] =	vst v63  }
0x2a: {  	p1 =	sne.s32 s13, $0x9E00;
	p0 =	por p2, p2;
	_ =	swait.ge @!p2 [sflag:s19], $0x80  }
0x2b: {  	[sflag:s19] =	ssyncset.done @!p0 $0x0  }
0x2c: {  	s16 =	simm.s32 @!p0 $0x80;
	s15 =	simm.s32 @!p0 $0x1;
	[sflag:s19] =	ssyncadd.s32 @!p0 $0xFFFFFF80  }
0x2d: {  	[tilespmem:s16], [sflag:$0x1] =	stream.indirect.gather @!p0 [hbm4b:s1+s16], $0x20, s17, s16, $0xb8;
	[tilespmem:$0x1080] =	vst v63  }
0x2e: {  	_ =	swait.ge @!p0 [sflag:s15], $0x1000  }
0x2f: {  	[sflag:s15] =	ssyncset.done @!p0 $0x0  }
0x30: {  	[sflag:s15] =	ssyncadd.s32 @!p0 $0xFFFFF000  }
0x31: {  	[hbm4b:s12+s17] =	stream.linear.scatter @!p0 [tilespmem:s16], [sflag:$0x3], $0x1000, $0x38;
	[tilespmem:$0x1080] =	vst v63  }
0x32: {  	_ =	swait.ge @!p0 [sflag:s19], $0x1000  }
0x33: {  	[sflag:s19] =	ssyncset.done @!p0 $0x0  }
0x34: {  	s20 =	sadd.s32 @!p0 s11, s6;
	s11 =	smov.u32 s18;
	[sflag:s19] =	ssyncadd.s32 @!p0 $0xFFFFF000  }
0x35: {  	[tilespmem:s17], [sflag:$0x3] =	stream.linear.gather @!p0 [hbm4b:s20+s17], $0x80, $0x38;
	[tilespmem:$0x1080] =	vst v63  }
0x36: {  	_ =	swait.ge @!p0 [sflag:s19], $0x80  }
0x37: {  	[sflag:s19] =	ssyncset.done @!p0 $0x0  }
0x38: {  	[sflag:s19] =	ssyncadd.s32 @!p0 $0xFFFFFF80  }
0x39: {  	[tilespmem:s16], [sflag:$0x1] =	stream.indirect.gather @!p0 [hbm4b:s1+s16], $0x20, s17, s16, $0xb8;
	[tilespmem:$0x1080] =	vst v63  }
.Ltmp0:
0x3a: {  	_ =	swait.ge @!p0 [sflag:s15], $0x1000;
	(pc) =	sbr.rel @p1 .LBB2_2-.Ltmp0, $4  }
0x3b: {  	s12 =	sadd.s32 $0x4000, s12;
	[sflag:s15] =	ssyncset.done @!p0 $0x0  }
0x3c: {  	s14 =	sadd.s32 $0x20, s14;
	[sflag:s15] =	ssyncadd.s32 @!p0 $0xFFFFF000;
	s15 =	simm.s32 @!p0 $0x2  }
0x3d: {  	[hbm4b:s10+s17] =	stream.linear.scatter @!p0 [tilespmem:s16], [sflag:$0x2], $0x1000, $0x38;
	[tilespmem:$0x1080] =	vst v63  }
0x3e: {  	p2 =	sgt.u32 s14, $0x9C3;
	s10 =	sadd.s32 $0x4000, s10;
	_ =	swait.ge @!p0 [sflag:s15], $0x1000  }
0x3f: {  	s13 =	sadd.s32 @!p2 s11, s7;
	[sflag:s15] =	ssyncset.done @!p0 $0x0  }
0x40: {  	s14 =	simm.s32 @!p2 $0x0;
	s16 =	simm.s32 @!p2 $0x3;
	[sflag:s15] =	ssyncadd.s32 @!p0 $0xFFFFF000  }
0x41: {  	[tilespmem:s14], [sflag:$0x3] =	stream.linear.gather @!p2 [hbm4b:s13+s14], $0x80, $0x38;
	[tilespmem:$0x1080] =	vst v63  }
0x42: {  	p0 =	por p2, p2;
	_ =	swait.ge @!p2 [sflag:s16], $0x80  }
0x43: {  	[sflag:s16] =	ssyncset.done @!p0 $0x0  }
0x44: {  	s13 =	simm.s32 @!p0 $0x80;
	s15 =	simm.s32 @!p0 $0x1;
	[sflag:s16] =	ssyncadd.s32 @!p0 $0xFFFFFF80  }
0x45: {  	[tilespmem:s13], [sflag:$0x1] =	stream.indirect.gather @!p0 [hbm4b:s1+s13], $0x20, s14, s13, $0xb8;
	[tilespmem:$0x1080] =	vst v63  }
0x46: {  	_ =	swait.ge @!p0 [sflag:s15], $0x1000  }
0x47: {  	[sflag:s15] =	ssyncset.done @!p0 $0x0  }
0x48: {  	[sflag:s15] =	ssyncadd.s32 @!p0 $0xFFFFF000  }
0x49: {  	[hbm4b:s12+s14] =	stream.linear.scatter @!p0 [tilespmem:s13], [sflag:$0x3], $0x1000, $0x38;
	[tilespmem:$0x1080] =	vst v63  }
0x4a: {  	_ =	swait.ge @!p0 [sflag:s16], $0x1000  }
0x4b: {  	[sflag:s16] =	ssyncset.done @!p0 $0x0  }
0x4c: {  	s11 =	sadd.s32 @!p0 s11, s6;
	[sflag:s16] =	ssyncadd.s32 @!p0 $0xFFFFF000  }
0x4d: {  	[tilespmem:s14], [sflag:$0x3] =	stream.linear.gather @!p0 [hbm4b:s11+s14], $0x80, $0x38;
	[tilespmem:$0x1080] =	vst v63  }
0x4e: {  	_ =	swait.ge @!p0 [sflag:s16], $0x80  }
0x4f: {  	[sflag:s16] =	ssyncset.done @!p0 $0x0  }
0x50: {  	[sflag:s16] =	ssyncadd.s32 @!p0 $0xFFFFFF80  }
0x51: {  	[tilespmem:s13], [sflag:$0x1] =	stream.indirect.gather @!p0 [hbm4b:s1+s13], $0x20, s14, s13, $0xb8;
	[tilespmem:$0x1080] =	vst v63  }
0x52: {  	s3 =	sadd.s32 $0x1, s3;
	_ =	swait.ge @!p0 [sflag:s15], $0x1000  }
0x53: {  	p1 =	sne.s32 s3, s5;
	[sflag:s15] =	ssyncset.done @!p0 $0x0  }
.Ltmp1:
0x54: {  	s11 =	simm.s32 @!p0 $0x2;
	[sflag:s15] =	ssyncadd.s32 @!p0 $0xFFFFF000;
	(pc) =	sbr.rel @p1 .LBB2_1-.Ltmp1, $4  }
0x55: {  	[hbm4b:s10+s14] =	stream.linear.scatter @!p0 [tilespmem:s13], [sflag:$0x2], $0x1000, $0x38;
	[tilespmem:$0x1080] =	vst v63  }
0x56: {  	_ =	swait.ge @!p0 [sflag:s11], $0x1000  }
0x57: {  	[sflag:s11] =	ssyncset.done @!p0 $0x0  }
0x58: {  	[sflag:s11] =	ssyncadd.s32 @!p0 $0xFFFFF000  }
0x59: {  	_ =	sfence.sel $0x180000  }
0x5a: {  	[bflag:$0x0] =	sbarrier.arrive $0xFFFF  }
0x5b: {  	p0 =	sne.s32 s2, $0x0;
	_ =	strace $0x90000047  }
0x5c: {  	s0 =	sadd.s32 @!p0 $0x100000, s0;
	[bflag:$0x2] =	sbarrier.arrive $0xFFFF  }
0x5d: {  	[sflag:s0] =	ssyncadd.tile.s32 @!p0 $0x1;
	_ =	shalt  }
.Lfunc_end2:
_tile_overlayer_lowered:
.L_overlay_start_2:
0x5e: {  	(tag) =	ssettag $0x2  }
0x5f: {  	s0 =	rddreg [dreg:$0x0];
	s2 =	stileid.u32  }
0x60: {  	s1 =	rddreg [dreg:$0x1];
	p0 =	sne.s32 s2, $0x0  }
0x61: {  	s3 =	rddreg [dreg:$0x2];
	[bflag:$0x3] =	sbarrier.arrive $0xFFFF;
	s2 =	simm.s32 @!p0 $0x1C02  }
0x62: {  	[timem:s3], [sflag:s2] =	dma.local @!p0 [hbm:s0], s1  }
0x63: {  	s0 =	simm.s32 @!p0 $0x2  }
0x64: {  	_ =	swait.ge @!p0 [sflag:s0], s1  }
0x65: {  	s1 =	ssub.s32 @!p0 $0x0, s1;
	[sflag:s0] =	ssyncset.done @!p0 $0x0  }
0x66: {  	[sflag:s0] =	ssyncadd.s32 @!p0 s1  }
0x67: {  	[bflag:$0x3] =	sbarrier.arrive $0xFFFF  }
0x68: {  	_ =	shalt  }

// kernel: kernel.9.cloned.1.call-start
scs
__scs_entry_jumppad:
0x0: {  	(pc) =	sbr.rel $0x88, $3  }
0x1: {  	(tag) =	ssettag $0x0;
	lr =	simm.s32 $0x1  }
0x2: {  	[smem:$0x3F99] =	sst lr;
	_ =	strace $0xD0000000  }
0x3: {  	_ = 	snop  }
0x4: {  	_ = 	snop  }
0x5: {  	_ = 	snop  }
0x6: {  	_ = 	snop  }
0x7: {  	_ = 	snop  }
__scs_overlays_trampoline_lowered:
0x8: {  	[smem:$0x3FA8] =	sst s0  }
0x9: {  	[smem:$0x3FA9] =	sst s1  }
0xa: {  	[smem:$0x3FAA] =	sst s2  }
0xb: {  	[smem:$0x3FAB] =	sst s3  }
0xc: {  	[smem:$0x3FAC] =	sst s4  }
0xd: {  	[smem:$0x3FAD] =	sst s5  }
0xe: {  	[smem:$0x3FAE] =	sst s6  }
0xf: {  	[smem:$0x3FAF] =	sst s7  }
0x10: {  	[smem:$0x3FB0] =	sst s8  }
0x11: {  	[smem:$0x3FB1] =	sst s9;
	s0 =	simm.s32 @!p0 $0x0  }
0x12: {  	s1 =	sld [smem:$0x3F97];
	s0 =	simm.s32 @p0 $0x1  }
0x13: {  	[smem:$0x3FB2] =	sst s0;
	s0 =	simm.s32 @!p1 $0x0  }
0x14: {  	s2 =	sld [smem:$0x3F96];
	s0 =	simm.s32 @p1 $0x1  }
0x15: {  	[smem:$0x3FB3] =	sst s0;
	s0 =	simm.s32 @!p2 $0x0  }
0x16: {  	s3 =	sld [smem:$0x3FDB];
	s0 =	simm.s32 @p2 $0x1  }
0x17: {  	s4 =	simm.s32 $0x1BF5;
	[smem:$0x3FB5] =	sst s0  }
0x18: {  	s0 =	sld [smem:$0x3F98];
	_ =	swait.ge [sflag:s4], $0x0  }
0x19: {  	s7 =	sld [smem:$0x3F99]  }
0x1a: {  	s8 =	sadd.s32 $0xFFFFE003, lr  }
0x1b: {  	s9 =	sadd.s32 $0xFFFFFEF7, lr;
	s5 =	simm.s32 $0xFFFFFFFF;
	p2 =	slt.u32 s8, $0xFFFFF086  }
0x1c: {  	p1 =	slt.u32 s9, $0xF7A;
	s5 =	simm.s32 @!p2 $0x0  }
0x1d: {  	s5 =	simm.s32 @p1 $0x1;
	p0 =	seq.s32 s7, s2  }
0x1e: {  	s7 =	smul.u32 @!p0 $0xF7A, s2;
	p2 =	seq.s32 @!p0 s5, $0x0  }
0x1f: {  	s9 =	smul.u32 $0xF7A, s1;
	s8 =	simm.s32 @!p0 $0x1BF5;
	p2 =	por !p2, p0  }
0x20: {  	[sflag:s8] =	ssyncset.s32 @!p0 $0xFFFFF086;
	s6 =	sadd.s32 @!p0 s3, s7;
	s7 =	simm.s32 @!p0 $0x108  }
0x21: {  	s3 =	sadd.s32 s3, s9;
	s6 =	sadd.s32 @!p0 $0x88, s6;
	s7 =	simm.s32 @p2 $0x1082  }
0x22: {  	[simem:s7], [sflag:s8] =	dma.local @!p0 [hbm:s6], $0xF7A  }
0x23: {  	s9 =	sor.u32 $0xD0000000, s2;
	s6 =	simm.s32 $0x108;
	_ =	swait.ge @!p0 [sflag:s8], $0x0  }
0x24: {  	s3 =	sadd.s32 $0x88, s3;
	s6 =	simm.s32 @!p1 $0x1082;
	[sflag:s4] =	ssyncset.s32 $0xFFFFF086  }
0x25: {  	[simem:s6], [sflag:s4] =	dma.local [hbm:s3], $0xF7A  }
0x26: {  	[smem:$0x3F99] =	sst s1;
	(tag) =	ssettag s2;
	_ =	strace s9  }
0x27: {  	s1 =	sld [smem:$0x3FA9]  }
0x28: {  	s2 =	sld [smem:$0x3FAA]  }
0x29: {  	s4 =	sld [smem:$0x3FAC]  }
0x2a: {  	p0 =	seq.s32 s5, $0x0;
	s5 =	sld [smem:$0x3FAD]  }
0x2b: {  	s6 =	sld [smem:$0x3FAE]  }
0x2c: {  	s7 =	sld [smem:$0x3FAF]  }
0x2d: {  	s3 =	simm.s32 $0x108;
	s8 =	sld [smem:$0x3FB0]  }
0x2e: {  	s3 =	simm.s32 @!p0 $0x1082;
	s9 =	sld [smem:$0x3FB1]  }
0x2f: {  	lr =	sadd.s32 s0, s3;
	s0 =	sld [smem:$0x3FA8]  }
0x30: {  	s3 =	sld [smem:$0x3FAB]  }
0x31: {  	[smem:$0x3FB4] =	sst s10  }
0x32: {  	s10 =	sld [smem:$0x3FB2];
	_ =	sdelay $0x3  }
0x33: {  	p0 =	seq.s32 s10, $0x1;
	s10 =	sld [smem:$0x3FB4];
	_ =	sdelay $0x3  }
0x34: {  	[smem:$0x3FB4] =	sst s10  }
0x35: {  	s10 =	sld [smem:$0x3FB3];
	_ =	sdelay $0x3  }
0x36: {  	p1 =	seq.s32 s10, $0x1;
	s10 =	sld [smem:$0x3FB4];
	_ =	sdelay $0x3  }
0x37: {  	[smem:$0x3FB4] =	sst s10  }
0x38: {  	s10 =	sld [smem:$0x3FB5]  }
0x39: {  	_ = 	snop;
	(pc) =	sbr.ind lr, $3  }
0x3a: {  	_ = 	snop  }
0x3b: {  	_ = 	snop  }
0x3c: {  	p2 =	seq.s32 s10, $0x1;
	s10 =	sld [smem:$0x3FB4]  }
0x3d: {  	_ =	shalt  }
0x3e: {  	_ =	shalt  }
0x3f: {  	_ =	shalt  }
0x40: {  	_ =	shalt  }
0x41: {  	_ =	shalt  }
0x42: {  	_ =	shalt  }
0x43: {  	_ =	shalt  }
0x44: {  	_ =	shalt  }
0x45: {  	_ =	shalt  }
0x46: {  	_ =	shalt  }
0x47: {  	_ =	shalt  }
0x48: {  	_ =	shalt  }
0x49: {  	_ =	shalt  }
0x4a: {  	_ =	shalt  }
0x4b: {  	_ =	shalt  }
0x4c: {  	_ =	shalt  }
0x4d: {  	_ =	shalt  }
0x4e: {  	_ =	shalt  }
0x4f: {  	_ =	shalt  }
0x50: {  	_ =	shalt  }
0x51: {  	_ =	shalt  }
0x52: {  	_ =	shalt  }
0x53: {  	_ =	shalt  }
0x54: {  	_ =	shalt  }
0x55: {  	_ =	shalt  }
0x56: {  	_ =	shalt  }
0x57: {  	_ =	shalt  }
0x58: {  	_ =	shalt  }
0x59: {  	_ =	shalt  }
0x5a: {  	_ =	shalt  }
0x5b: {  	_ =	shalt  }
0x5c: {  	_ =	shalt  }
0x5d: {  	_ =	shalt  }
0x5e: {  	_ =	shalt  }
0x5f: {  	_ =	shalt  }
0x60: {  	_ =	shalt  }
0x61: {  	_ =	shalt  }
0x62: {  	_ =	shalt  }
0x63: {  	_ =	shalt  }
0x64: {  	_ =	shalt  }
0x65: {  	_ =	shalt  }
0x66: {  	_ =	shalt  }
0x67: {  	_ =	shalt  }
0x68: {  	_ =	shalt  }
0x69: {  	_ =	shalt  }
0x6a: {  	_ =	shalt  }
0x6b: {  	_ =	shalt  }
0x6c: {  	_ =	shalt  }
0x6d: {  	_ =	shalt  }
0x6e: {  	_ =	shalt  }
0x6f: {  	_ =	shalt  }
0x70: {  	_ =	shalt  }
0x71: {  	_ =	shalt  }
0x72: {  	_ =	shalt  }
0x73: {  	_ =	shalt  }
0x74: {  	_ =	shalt  }
0x75: {  	_ =	shalt  }
0x76: {  	_ =	shalt  }
0x77: {  	_ =	shalt  }
0x78: {  	_ =	shalt  }
0x79: {  	_ =	shalt  }
0x7a: {  	_ =	shalt  }
0x7b: {  	_ =	shalt  }
0x7c: {  	_ =	shalt  }
0x7d: {  	_ =	shalt  }
0x7e: {  	_ =	shalt  }
0x7f: {  	_ =	shalt  }
0x80: {  	_ =	shalt  }
0x81: {  	_ =	shalt  }
0x82: {  	_ =	shalt  }
0x83: {  	_ =	shalt  }
0x84: {  	_ =	shalt  }
0x85: {  	_ =	shalt  }
0x86: {  	_ =	shalt  }
0x87: {  	_ =	shalt  }
.Lfunc_end0:
.L_simem_size_0:
called_computation.1_lowered:
.L_overlay_start_0:
0x88: {  	s2 =	sld [smem:$0x3FD9]  }
0x89: {  	s3 =	sld [smem:$0x3FFE];
	_ =	sdelay $0x1  }
0x8a: {  	s1 =	srdreg.scid  }
0x8b: {  	s0 =	sand.u32 $0x1, s1  }
0x8c: {  	s17 =	sshll.u32 s0, $0xA;
	s2 =	sadd.s32 s3, s2  }
0x8d: {  	s2 =	sadd.s32 s2, s17  }
0x8e: {  	[smem:$0x3FC0] =	sst s2  }
0x8f: {  	_ = 	snop  }
0x90: {  	s2 =	sld [smem:$0x3FC6];
	(tm) =	ssettm $0x1  }
0x91: {  	s18 =	sld [smem:$0x3FFB];
	_ =	sdelay $0x3  }
0x92: {  	_ =	strace s18  }
0x93: {  	s3 =	sld [smem:$0x3FFC];
	_ =	sdelay $0x3  }
0x94: {  	_ =	strace s3  }
0x95: {  	s3 =	sld [smem:$0x3FFD];
	_ =	sdelay $0x3  }
0x96: {  	_ =	strace s3  }
0x97: {  	_ =	strace $0x8FFFFFFF  }
0x98: {  	s19 =	sld [smem:$0x3FDB];
	_ =	sdelay $0x1  }
0x99: {  	s4 =	simm.s32 $_scs_section_size  }
0x9a: {  	s5 =	simm.s32 $_size__tile_overlayer_lowered;
	s6 =	simm.s32 $_tile_overlayer_lowered  }
0x9b: {  	s22 =	simm.s32 $0x1BFF;
	s21 =	sshll.u32 s6, $0x1;
	s3 =	sadd.s32 s4, s19  }
0x9c: {  	s7 =	simm.s32 $0x0;
	s20 =	sshll.u32 s5, $0x1;
	s5 =	sadd.s32 s21, s3  }
0x9d: {  	[timem:s7], [sflag:s22] =	dma.local [hbm:s5], s20  }
0x9e: {  	_ =	swait.ge [sflag:s22], s20  }
0x9f: {  	s4 =	ssub.s32 $0x0, s20;
	[sflag:s22] =	ssyncset.done $0x0  }
0xa0: {  	[sflag:s22] =	ssyncadd.s32 s4;
	_ =	sdelay $0x1  }
0xa1: {  	s23 =	simm.s32 $0x1B8B  }
0xa2: {  	_ =	swait.ge [sflag:s23], $0x1  }
0xa3: {  	[sflag:s23] =	ssyncset.done $0x0  }
0xa4: {  	s25 =	simm.s32 $0x1B8E;
	s24 =	sld [smem:$0x3FFE];
	[sflag:s23] =	ssyncadd.s32 $0xFFFFFFFF  }
0xa5: {  	s26 =	simm.s32 $execute0_lowered;
	[smem:$0x3FD2] =	sst s25  }
0xa6: {  	s5 =	sshll.u32 s26, $0x1;
	_ =	strace $0x80000049;
	[dreg:$0x1] =	wrdreg $0xFFFFFFFF  }
0xa7: {  	s28 =	simm.s32 $_size_execute0_lowered;
	s3 =	sadd.s32 s3, s5;
	[dreg:$0x0] =	wrdreg $0x0  }
0xa8: {  	s5 =	sshll.u32 s28, $0x1;
	[dreg:$0x2] =	wrdreg s3  }
0xa9: {  	[dreg:$0x3] =	wrdreg s5  }
0xaa: {  	[dreg:$0x4] =	wrdreg $0xC0  }
0xab: {  	_ =	task [dreg:s7], $0x5FFFF  }
0xac: {  	[dreg:$0x1] =	wrdreg $0xFFFFFFFF  }
0xad: {  	[dreg:$0x0] =	wrdreg $0x60  }
0xae: {  	[dreg:$0x2] =	wrdreg s24  }
0xaf: {  	[dreg:$0x3] =	wrdreg s2  }
0xb0: {  	[dreg:$0x4] =	wrdreg $0x0  }
0xb1: {  	[dreg:$0x5] =	wrdreg $0x9  }
0xb2: {  	_ =	task.clear_ibuf [dreg:s7], $0x6FFFF;
	_ =	strace $0x90000049  }
0xb3: {  	s29 =	simm.s32 $0x9;
	_ =	strace $0x8000004B  }
0xb4: {  	_ =	swait.ge [sflag:s29], $0x1  }
0xb5: {  	[sflag:s29] =	ssyncadd.s32 $0xFFFFFFFF  }
0xb6: {  	_ =	strace $0x9000004B  }
0xb7: {  	_ =	sfence  }
0xb8: {  	s30 =	sld [smem:$0x0];
	_ =	sdelay $0x2  }
0xb9: {  	s31 =	sshll.u32 s1, $0xD;
	s1 =	sshrl.u32 s1, $0x2  }
0xba: {  	s3 =	sand.u32 $0x4000, s31;
	s1 =	sadd.s32 s1, s30  }
0xbb: {  	s0 =	sor.u32 s3, s0;
	s1 =	sshll.u32 s1, $0x11  }
0xbc: {  	s0 =	sor.u32 s1, s0  }
0xbd: {  	s0 =	sadd.s32 $0x8F2B, s0  }
0xbe: {  	[sflag:s0] =	ssyncadd.remote.s32 $0x1  }
0xbf: {  	_ =	sfence.sel $0xFFFF  }
0xc0: {  	[dreg:$0x0] =	wrdreg $0xFFFFFFFF;
	(pc) =	sbr.abs _section_cstart, $3  }
0xc1: {  	[dreg:$0x1] =	wrdreg $0xFFFFFFFF  }
0xc2: {  	_ =	task.clear_ibuf [dreg:s7], $0x2FFFF;
	_ =	strace $0x9FFFFFFF  }
0xc3: {  	(tm) =	ssettm $0x7FFFFFFF  }
tec
execute0_lowered:
.L_overlay_start_1:
0x0: {  	(tag) =	ssettag $0x1  }
0x1: {  	s4 =	rddreg [dreg:$0x0]  }
0x2: {  	s6 =	rddreg [dreg:$0x1]  }
0x3: {  	s2 =	rddreg [dreg:$0x2]  }
0x4: {  	s0 =	rddreg [dreg:$0x3];
	s1 =	stileid.u32  }
0x5: {  	s7 =	srdreg.scid;
	s3 =	simm.s32 $0x0;
	s5 =	smul.u32 $0xA00, s1  }
0x6: {  	s8 =	smul.u32 $0xC350, s1;
	s9 =	sand.u32 $0x1, s7;
	[smem:$0x7FF] =	sst s3  }
0x7: {  	s31 =	sshll.u32 s1, $0x5;
	s13 =	sshll.u32 s1, $0x6;
	s7 =	smul.u32 $0xC3500, s9  }
0x8: {  	_ =	strace $0x8000004A;
	s11 =	ssub.s32 $0x2, s9;
	s14 =	sadd.s32 s31, s6  }
0x9: {  	s15 =	smul.u32 $0x500, s9;
	s6 =	sor.u32 $0x1C01, s13;
	s9 =	sshll.u32 s9, $0x4  }
0xa: {  	s10 =	sadd.s32 s5, s4;
	s29 =	sshrl.u32 s8, $0x3;
	s12 =	sshrl.u32 s11, $0x1  }
0xb: {  	s30 =	sadd.s32 s8, s2;
	s9 =	sadd.s32 s9, s14;
	s7 =	sadd.s32 s8, s7  }
0xc: {  	s5 =	sadd.s32 s29, s4;
	s11 =	ssub.s32 s11, s12;
	s10 =	sadd.s32 s15, s10  }
0xd: {  	s12 =	simm.s32 $0x1;
	s7 =	sshrl.u32 s7, $0x3;
	s5 =	sadd.s32 $0x30E800, s5  }
0xe: {  	s8 =	smax.u32 s11, $0x1;
	s10 =	sadd.s32 $0x1400, s10;
	s7 =	sadd.s32 s7, s4  }
0xf: {  	s11 =	sshrl.u32 s30, $0x3;
	s4 =	sshll.u32 s1, $0x1;
	s7 =	sadd.s32 $0x327000, s7  }
.LBB2_1:
0x10: {  	[spmem:s11], [sflag:s6] =	dma.local [hbm:s5], $0x186A  }
0x11: {  	s13 =	sadd.s32 $0x0, s4;
	_ =	swait.ge [sflag:s12], $0x186A  }
0x12: {  	p0 =	sgt.u32 s13, $0x9C3;
	[sflag:s12] =	ssyncset.done $0x0  }
0x13: {  	s13 =	simm.s32 @!p0 $0x0;
	[sflag:s12] =	ssyncadd.s32 $0xFFFFE796  }
0x14: {  	s15 =	simm.s32 @!p0 $0xC350;
	s16 =	simm.s32 @!p0 $0x2;
	[bflag:$0x0] =	sbarrier.arrive $0xFFFF  }
0x15: {  	[tilespmem:s15], [sflag:$0x2] =	stream.linear.gather @!p0 [hbm4b:s9+s13], $0x80, $0x38;
	[tilespmem:$0xEBD0] =	vst v63  }
0x16: {  	_ =	swait.ge @!p0 [sflag:s16], $0x80;
	p0 =	por p0, p0  }
0x17: {  	[sflag:s16] =	ssyncset.done @!p0 $0x0  }
0x18: {  	s17 =	simm.s32 @!p0 $0xC3D0;
	[sflag:s16] =	ssyncadd.s32 @!p0 $0xFFFFFF80  }
0x19: {  	[tilespmem:s17], [sflag:$0x2] =	stream.linear.gather @!p0 [hbm4b:s10+s13], $0x2800, $0x38;
	[tilespmem:$0xEBD0] =	vst v63  }
0x1a: {  	s31 =	sadd.s32 $0x20, s4;
	_ =	swait.ge @!p0 [sflag:s16], $0x2800  }
0x1b: {  	s14 =	simm.s32 $0x40;
	p1 =	sgt.u32 s31, $0x9C3;
	[sflag:s16] =	ssyncset.done @!p0 $0x0  }
0x1c: {  	s13 =	simm.s32 @!p0 $0x80;
	[sflag:s16] =	ssyncadd.s32 @!p0 $0xFFFFD800;
	s16 =	simm.s32 @!p0 $0x1  }
0x1d: {  	[spmem:s2] =	stream.indirect.scatter.add.f32 @!p0 [tilespmem:s17], [sflag:$0x1], $0x50, s15, s13, $0xb8;
	[tilespmem:$0xEBD0] =	vst v63  }
0x1e: {  	s13 =	sadd.s32 $0xA000, s10;
	s15 =	sadd.s32 $0x200, s9;
	_ =	swait.ge @!p0 [sflag:s16], $0x2800  }
.LBB2_2:
0x1f: {  	s17 =	simm.s32 @!p1 $0x0  }
0x20: {  	s18 =	simm.s32 @!p1 $0xC350;
	[sflag:s16] =	ssyncset.done @!p0 $0x0;
	s19 =	smov.u32 s14  }
0x21: {  	s14 =	sadd.s32 $0x20, s14;
	s20 =	simm.s32 @!p1 $0x2;
	[sflag:s16] =	ssyncadd.s32 @!p0 $0xFFFFD800  }
0x22: {  	[tilespmem:s18], [sflag:$0x2] =	stream.linear.gather @!p1 [hbm4b:s15+s17], $0x80, $0x38;
	[tilespmem:$0xEBD0] =	vst v63  }
0x23: {  	p2 =	sne.s32 s14, $0x9E0;
	p0 =	por p1, p1;
	_ =	swait.ge @!p1 [sflag:s20], $0x80  }
0x24: {  	[sflag:s20] =	ssyncset.done @!p0 $0x0  }
0x25: {  	s21 =	simm.s32 @!p0 $0xC3D0;
	[sflag:s20] =	ssyncadd.s32 @!p0 $0xFFFFFF80  }
0x26: {  	[tilespmem:s21], [sflag:$0x2] =	stream.linear.gather @!p0 [hbm4b:s13+s17], $0x2800, $0x38;
	[tilespmem:$0xEBD0] =	vst v63  }
.Ltmp0:
0x27: {  	_ =	swait.ge @!p0 [sflag:s20], $0x2800;
	(pc) =	sbr.rel @p2 .LBB2_2-.Ltmp0, $4  }
0x28: {  	s16 =	simm.s32 @!p0 $0x1;
	s13 =	sadd.s32 $0xA000, s13;
	[sflag:s20] =	ssyncset.done @!p0 $0x0  }
0x29: {  	s17 =	sadd.s32 s19, s4;
	s19 =	simm.s32 @!p0 $0x80;
	[sflag:s20] =	ssyncadd.s32 @!p0 $0xFFFFD800  }
0x2a: {  	[spmem:s2] =	stream.indirect.scatter.add.f32 @!p0 [tilespmem:s21], [sflag:$0x1], $0x50, s18, s19, $0xb8;
	[tilespmem:$0xEBD0] =	vst v63  }
0x2b: {  	s15 =	sadd.s32 $0x200, s15;
	p1 =	sgt.u32 s17, $0x9C3;
	_ =	swait.ge @!p0 [sflag:s16], $0x2800  }
0x2c: {  	s14 =	simm.s32 @!p1 $0x0;
	[sflag:s16] =	ssyncset.done @!p0 $0x0  }
0x2d: {  	s17 =	simm.s32 @!p1 $0xC350;
	s18 =	simm.s32 @!p1 $0x2;
	[sflag:s16] =	ssyncadd.s32 @!p0 $0xFFFFD800  }
0x2e: {  	[tilespmem:s17], [sflag:$0x2] =	stream.linear.gather @!p1 [hbm4b:s15+s14], $0x80, $0x38;
	[tilespmem:$0xEBD0] =	vst v63  }
0x2f: {  	p0 =	por p1, p1;
	_ =	swait.ge @!p1 [sflag:s18], $0x80  }
0x30: {  	[sflag:s18] =	ssyncset.done @!p0 $0x0  }
0x31: {  	s15 =	simm.s32 @!p0 $0xC3D0;
	[sflag:s18] =	ssyncadd.s32 @!p0 $0xFFFFFF80  }
0x32: {  	[tilespmem:s15], [sflag:$0x2] =	stream.linear.gather @!p0 [hbm4b:s13+s14], $0x2800, $0x38;
	[tilespmem:$0xEBD0] =	vst v63  }
0x33: {  	_ =	swait.ge @!p0 [sflag:s18], $0x2800  }
0x34: {  	[sflag:s18] =	ssyncset.done @!p0 $0x0  }
0x35: {  	s13 =	simm.s32 @!p0 $0x1;
	s14 =	simm.s32 @!p0 $0x80;
	[sflag:s18] =	ssyncadd.s32 @!p0 $0xFFFFD800  }
0x36: {  	[spmem:s2] =	stream.indirect.scatter.add.f32 @!p0 [tilespmem:s15], [sflag:$0x1], $0x50, s17, s14, $0xb8;
	[tilespmem:$0xEBD0] =	vst v63  }
0x37: {  	_ =	swait.ge @!p0 [sflag:s13], $0x2800  }
0x38: {  	s3 =	sadd.s32 $0x1, s3;
	[sflag:s13] =	ssyncset.done @!p0 $0x0  }
0x39: {  	[sflag:s13] =	ssyncadd.s32 @!p0 $0xFFFFD800;
	p0 =	sne.s32 s3, s8  }
.Ltmp1:
0x3a: {  	[bflag:$0x0] =	sbarrier.arrive $0xFFFF;
	(pc) =	sbr.rel @p0 .LBB2_1-.Ltmp1, $4  }
0x3b: {  	[hbm:s7], [sflag:s6] =	dma.local [spmem:s11], $0x186A  }
0x3c: {  	_ =	swait.ge [sflag:s12], $0x186A  }
0x3d: {  	[sflag:s12] =	ssyncset.done $0x0  }
0x3e: {  	[sflag:s12] =	ssyncadd.s32 $0xFFFFE796  }
0x3f: {  	_ =	sfence.sel $0x180000  }
0x40: {  	[bflag:$0x0] =	sbarrier.arrive $0xFFFF  }
0x41: {  	p0 =	sne.s32 s1, $0x0;
	_ =	strace $0x9000004A  }
0x42: {  	s0 =	sadd.s32 @!p0 $0x100000, s0;
	[bflag:$0x2] =	sbarrier.arrive $0xFFFF  }
0x43: {  	[sflag:s0] =	ssyncadd.tile.s32 @!p0 $0x1;
	_ =	shalt  }
.Lfunc_end2:
_tile_overlayer_lowered:
.L_overlay_start_2:
0x44: {  	(tag) =	ssettag $0x2  }
0x45: {  	s0 =	rddreg [dreg:$0x0];
	s2 =	stileid.u32  }
0x46: {  	s1 =	rddreg [dreg:$0x1];
	p0 =	sne.s32 s2, $0x0  }
0x47: {  	s3 =	rddreg [dreg:$0x2];
	[bflag:$0x3] =	sbarrier.arrive $0xFFFF;
	s2 =	simm.s32 @!p0 $0x1C01  }
0x48: {  	[timem:s3], [sflag:s2] =	dma.local @!p0 [hbm:s0], s1  }
0x49: {  	s0 =	simm.s32 @!p0 $0x1  }
0x4a: {  	_ =	swait.ge @!p0 [sflag:s0], s1  }
0x4b: {  	s1 =	ssub.s32 @!p0 $0x0, s1;
	[sflag:s0] =	ssyncset.done @!p0 $0x0  }
0x4c: {  	[sflag:s0] =	ssyncadd.s32 @!p0 s1  }
0x4d: {  	[bflag:$0x3] =	sbarrier.arrive $0xFFFF  }
0x4e: {  	_ =	shalt  }

</sc_bundles>
